<compile_context>
chip_gen: v7x
topology: tpu7x:2x2x1
jax: 0.10.2.dev20260603
libtpu: 0.0.44.dev20260713+nightly
codegen_flags: <defaults>
</compile_context>

<pallas_src>
import functools

import jax
import jax.numpy as jnp
from jax import lax
from jax.experimental import pallas as pl
from jax.experimental.pallas import tpu as pltpu
from jax.experimental.pallas import tpu_sc as plsc

BT = 256
NB = 47
S = NB * BT
CH = 32
NBUF = 3


def _sc_scatter_x(x, slots_3d, S, IN):
    info = plsc.get_sparse_core_info()
    NC, NS = info.num_cores, info.num_subcores
    NW = NC * NS
    B = x.shape[0]
    b_per_w = B // NW
    n_chunks = b_per_w // CH
    mesh = plsc.VectorSubcoreMesh(core_axis_name="c", subcore_axis_name="s")

    @functools.partial(
        pl.kernel,
        mesh=mesh,
        out_type=jax.ShapeDtypeStruct((S, IN), jnp.float32),
        scratch_types=[
            pltpu.VMEM((n_chunks, CH), jnp.int32),
        ] + [pltpu.VMEM((CH, IN), jnp.float32) for _ in range(NBUF)]
          + [pltpu.SemaphoreType.DMA for _ in range(2 * NBUF)],
    )
    def scatter_k(x_hbm, idx_hbm, out_hbm, idx_v, *bufs_sems):
        rows_v = bufs_sems[:NBUF]
        semL = bufs_sems[NBUF:2 * NBUF]
        semS = bufs_sems[2 * NBUF:]
        wid = lax.axis_index("s") * NC + lax.axis_index("c")
        pltpu.sync_copy(idx_hbm.at[wid], idx_v)

        hL = [None] * NBUF
        hS = [None] * NBUF
        for k in range(n_chunks):
            j = k % NBUF
            if k >= NBUF:
                hS[j].wait()
            b0 = wid * b_per_w + k * CH
            hL[j] = pltpu.async_copy(x_hbm.at[pl.ds(b0, CH)], rows_v[j], semL[j])
            if k >= 1:
                jp = (k - 1) % NBUF
                hL[jp].wait()
                hS[jp] = pltpu.async_copy(
                    rows_v[jp], out_hbm.at[idx_v.at[k - 1]], semS[jp])
        jl = (n_chunks - 1) % NBUF
        hL[jl].wait()
        hS[jl] = pltpu.async_copy(
            rows_v[jl], out_hbm.at[idx_v.at[n_chunks - 1]], semS[jl])
        for k in range(max(0, n_chunks - NBUF), n_chunks):
            hS[k % NBUF].wait()

    return scatter_k(x, slots_3d)


def _sc_gather_y(y_sorted, slots_3d, B, OUT):
    info = plsc.get_sparse_core_info()
    NC, NS = info.num_cores, info.num_subcores
    NW = NC * NS
    b_per_w = B // NW
    n_chunks = b_per_w // CH
    mesh = plsc.VectorSubcoreMesh(core_axis_name="c", subcore_axis_name="s")

    @functools.partial(
        pl.kernel,
        mesh=mesh,
        out_type=jax.ShapeDtypeStruct((B, OUT), jnp.float32),
        scratch_types=[
            pltpu.VMEM((n_chunks, CH), jnp.int32),
        ] + [pltpu.VMEM((CH, OUT), jnp.float32) for _ in range(NBUF)]
          + [pltpu.SemaphoreType.DMA for _ in range(2 * NBUF)],
    )
    def gather_k(ys_hbm, idx_hbm, out_hbm, idx_v, *bufs_sems):
        rows_v = bufs_sems[:NBUF]
        semL = bufs_sems[NBUF:2 * NBUF]
        semS = bufs_sems[2 * NBUF:]
        wid = lax.axis_index("s") * NC + lax.axis_index("c")
        pltpu.sync_copy(idx_hbm.at[wid], idx_v)

        hL = [None] * NBUF
        hS = [None] * NBUF
        for k in range(n_chunks):
            j = k % NBUF
            if k >= NBUF:
                hS[j].wait()
            hL[j] = pltpu.async_copy(ys_hbm.at[idx_v.at[k]], rows_v[j], semL[j])
            if k >= 1:
                jp = (k - 1) % NBUF
                hL[jp].wait()
                b0 = wid * b_per_w + (k - 1) * CH
                hS[jp] = pltpu.async_copy(
                    rows_v[jp], out_hbm.at[pl.ds(b0, CH)], semS[jp])
        jl = (n_chunks - 1) % NBUF
        hL[jl].wait()
        hS[jl] = pltpu.async_copy(
            rows_v[jl],
            out_hbm.at[pl.ds(wid * b_per_w + (n_chunks - 1) * CH, CH)],
            semS[jl])
        for k in range(max(0, n_chunks - NBUF), n_chunks):
            hS[k % NBUF].wait()

    return gather_k(y_sorted, slots_3d)


def _mm_body(be_ref, x_ref, w_ref, b_ref, o_ref):
    acc = lax.dot_general(
        x_ref[...], w_ref[0],
        (((1,), (1,)), ((), ())),
        preferred_element_type=jnp.float32,
    )
    o_ref[...] = acc + b_ref[0]


def _tc_grouped_matmul(x_sorted, blk_e, weight, bias, OUT, IN):
    grid_spec = pltpu.PrefetchScalarGridSpec(
        num_scalar_prefetch=1,
        grid=(NB,),
        in_specs=[
            pl.BlockSpec((BT, IN), lambda i, be: (i, 0)),
            pl.BlockSpec((1, OUT, IN), lambda i, be: (be[i], 0, 0)),
            pl.BlockSpec((1, 1, OUT), lambda i, be: (be[i], 0, 0)),
        ],
        out_specs=pl.BlockSpec((BT, OUT), lambda i, be: (i, 0)),
    )
    return pl.pallas_call(
        _mm_body,
        grid_spec=grid_spec,
        out_shape=jax.ShapeDtypeStruct((S, OUT), jnp.float32),
        compiler_params=pltpu.CompilerParams(
            dimension_semantics=("arbitrary",),
        ),
    )(blk_e, x_sorted, weight, bias.reshape(bias.shape[0], 1, OUT))


def _routing(stack_idx, B, E):
    NCH = 64
    CL = B // NCH
    e2 = stack_idx.astype(jnp.int32).reshape(NCH, CL)
    ar_e = jnp.arange(E, dtype=jnp.int32)
    oh = (e2[:, None, :] == ar_e[None, :, None]).astype(jnp.float32)
    tri = (jnp.arange(CL)[:, None] <= jnp.arange(CL)[None, :]).astype(jnp.float32)
    within = lax.dot_general(
        oh.reshape(NCH * E, CL), tri, (((1,), (0,)), ((), ())),
        preferred_element_type=jnp.float32).reshape(NCH, E, CL)
    chunk_hist = within[:, :, -1].astype(jnp.int32)
    prefix = jnp.cumsum(chunk_hist, axis=0) - chunk_hist
    c = jnp.sum(chunk_hist, axis=0)

    nb = (c + BT - 1) // BT
    fb_end = jnp.cumsum(nb)
    fb = fb_end - nb
    blk = jnp.arange(NB, dtype=jnp.int32)
    blk_e = jnp.minimum(
        jnp.sum((blk[:, None] >= fb_end[None, :]).astype(jnp.int32), axis=1),
        E - 1)

    base = (fb[None, :] * BT + prefix).astype(jnp.float32)
    slots = jnp.sum((base[:, :, None] + within - 1.0) * oh, axis=1)
    return blk_e, slots.reshape(B).astype(jnp.int32)


def kernel(input, stack_idx, weight, bias):
    B, IN = input.shape
    E, OUT, _ = weight.shape
    blk_e, slots = _routing(stack_idx, B, E)

    info = plsc.get_sparse_core_info()
    NW = info.num_cores * info.num_subcores
    slots_3d = slots.reshape(NW, B // NW // CH, CH)

    x_sorted = _sc_scatter_x(input, slots_3d, S, IN)
    y_sorted = _tc_grouped_matmul(x_sorted, blk_e, weight, bias, OUT, IN)
    return _sc_gather_y(y_sorted, slots_3d, B, OUT)

# --- scband reference (transcript-rebuilt; emitter-appended) ---
"""Pipeline reference for scband-stacked-linear-74801150427257 (READ-ONLY COPY).

The authoritative reference and input builder live on the scoring server;
editing this copy changes nothing except your own understanding.
"""

import jax, jax.numpy as jnp
import numpy as np

B = 8192
IN = 1024
OUT = 1024
E = 16


def setup_inputs(seed: int = 0) -> dict:
    key = jax.random.key(seed)
    k1, k2, k3, k4 = jax.random.split(key, 4)
    x = jax.random.normal(k1, (B, IN), dtype=jnp.float32)
    stack_idx = jax.random.randint(k2, (B,), 0, E, dtype=jnp.int32)
    # kaiming_uniform_(a=sqrt(5)) over fan_in=IN -> bound = sqrt(6/((1+5)*IN)) = 1/sqrt(IN)
    wb = 1.0 / np.sqrt(IN)
    weight = jax.random.uniform(k3, (E, OUT, IN), dtype=jnp.float32, minval=-wb, maxval=wb)
    bb = 1.0 / np.sqrt(IN)
    bias = jax.random.uniform(k4, (E, OUT), dtype=jnp.float32, minval=-bb, maxval=bb)
    return {"input": x, "stack_idx": stack_idx, "weight": weight, "bias": bias}


def reference(input, stack_idx, weight, bias) -> jnp.ndarray:
    # gather per-token expert weight matrices: (B, OUT, IN)
    batch_weights = jnp.take(weight, stack_idx, axis=0)
    # bmm: (B,1,IN) @ (B,IN,OUT) -> (B,OUT); expressed as einsum
    output = jnp.einsum('bi,boi->bo', input, batch_weights)
    batch_bias = jnp.take(bias, stack_idx, axis=0)
    output = output + batch_bias
    return output

if __name__ == "__main__":
    import jax
    _d = setup_inputs()
    print(jax.jit(kernel)(*tuple(_d.values())))

</pallas_src>

<mosaic_0001>
#map = affine_map<(d0, d1) -> (0, 0)>
#map1 = affine_map<(d0, d1) -> (0, 0, 0)>
module attributes {stable_mosaic.version = 14 : i64} {
  func.func @scatter_k(%arg0: i32, %arg1: i32, %arg2: memref<8192x1024xf32, #tpu.memory_space<hbm>>, %arg3: memref<32x8x32xi32, #tpu.memory_space<hbm>>, %arg4: memref<12032x1024xf32, #tpu.memory_space<hbm>>, %arg5: memref<8x32xi32, #tpu.memory_space<vmem>>, %arg6: memref<32x1024xf32, #tpu.memory_space<vmem>>, %arg7: memref<32x1024xf32, #tpu.memory_space<vmem>>, %arg8: memref<32x1024xf32, #tpu.memory_space<vmem>>, %arg9: memref<!tpu.dma_semaphore, #tpu.memory_space<semaphore_mem>>, %arg10: memref<!tpu.dma_semaphore, #tpu.memory_space<semaphore_mem>>, %arg11: memref<!tpu.dma_semaphore, #tpu.memory_space<semaphore_mem>>, %arg12: memref<!tpu.dma_semaphore, #tpu.memory_space<semaphore_mem>>, %arg13: memref<!tpu.dma_semaphore, #tpu.memory_space<semaphore_mem>>, %arg14: memref<!tpu.dma_semaphore, #tpu.memory_space<semaphore_mem>>) attributes {dimension_semantics = [#tpu.dimension_semantics<core_parallel>, #tpu.dimension_semantics<subcore_parallel>], iteration_bounds = array<i64: 2, 16>, scalar_prefetch = 0 : i64, scratch_operands = 10 : i64, tpu.core_type = #tpu.core_type<sc_vector_subcore>, window_params = [{transform_indices = #map}, {transform_indices = #map1}, {transform_indices = #map}]} {
    %mul3A = arith.constant 2 : i32
    %mul3A_0 = arith.muli %arg1, %mul3A : i32
    %add3A = arith.addi %mul3A_0, %arg0 : i32
    "tpu.region"() ({
      %run_scoped3A = tpu.sem_alloc : memref<!tpu.dma_semaphore, #tpu.memory_space<semaphore_mem>>
      %dma_start3A_207 = arith.constant 0 : i32
      %dma_start3A_208 = arith.constant 0 : i32
      %dma_start3A_209 = tpu.memref_slice %arg3[%add3A, %dma_start3A_207, %dma_start3A_208] : memref<32x8x32xi32, #tpu.memory_space<hbm>> -> memref<1x8x32xi32, #tpu.memory_space<hbm>>
      %dma_start3A_210 = tpu.memref_squeeze %dma_start3A_209 : memref<1x8x32xi32, #tpu.memory_space<hbm>> -> memref<8x32xi32, #tpu.memory_space<hbm>>
      %dma_start3A_211 = arith.constant 0 : i32
      %dma_start3A_212 = arith.constant 0 : i32
      %dma_start3A_213 = tpu.memref_slice %arg3[%add3A, %dma_start3A_211, %dma_start3A_212] : memref<32x8x32xi32, #tpu.memory_space<hbm>> -> memref<1x8x32xi32, #tpu.memory_space<hbm>>
      %dma_start3A_214 = tpu.memref_squeeze %dma_start3A_213 : memref<1x8x32xi32, #tpu.memory_space<hbm>> -> memref<8x32xi32, #tpu.memory_space<hbm>>
      tpu.enqueue_dma source(%dma_start3A_214 : memref<8x32xi32, #tpu.memory_space<hbm>>) target(%arg5 : memref<8x32xi32, #tpu.memory_space<vmem>>) target_semaphore(%run_scoped3A : memref<!tpu.dma_semaphore, #tpu.memory_space<semaphore_mem>>)
      %dma_wait3A_215 = arith.constant 0 : i32
      %dma_wait3A_216 = arith.constant 0 : i32
      %dma_wait3A_217 = tpu.memref_slice %arg3[%add3A, %dma_wait3A_215, %dma_wait3A_216] : memref<32x8x32xi32, #tpu.memory_space<hbm>> -> memref<1x8x32xi32, #tpu.memory_space<hbm>>
      %dma_wait3A_218 = tpu.memref_squeeze %dma_wait3A_217 : memref<1x8x32xi32, #tpu.memory_space<hbm>> -> memref<8x32xi32, #tpu.memory_space<hbm>>
      %dma_wait3A_219 = arith.constant 0 : i32
      %dma_wait3A_220 = arith.constant 0 : i32
      %dma_wait3A_221 = tpu.memref_slice %arg3[%add3A, %dma_wait3A_219, %dma_wait3A_220] : memref<32x8x32xi32, #tpu.memory_space<hbm>> -> memref<1x8x32xi32, #tpu.memory_space<hbm>>
      %dma_wait3A_222 = tpu.memref_squeeze %dma_wait3A_221 : memref<1x8x32xi32, #tpu.memory_space<hbm>> -> memref<8x32xi32, #tpu.memory_space<hbm>>
      tpu.wait_dma2 semaphore(%run_scoped3A : memref<!tpu.dma_semaphore, #tpu.memory_space<semaphore_mem>>) src(%dma_wait3A_222 : memref<8x32xi32, #tpu.memory_space<hbm>>) dst(%arg5 : memref<8x32xi32, #tpu.memory_space<vmem>>)
      tpu.yield
    }) : () -> ()
    %mul3A_1 = arith.constant 256 : i32
    %mul3A_2 = arith.muli %add3A, %mul3A_1 : i32
    %add3A_3 = arith.constant 0 : i32
    %add3A_4 = arith.addi %mul3A_2, %add3A_3 : i32
    %dma_start3A = arith.constant 0 : i32
    %dma_start3A_5 = tpu.memref_slice %arg2[%add3A_4, %dma_start3A] : memref<8192x1024xf32, #tpu.memory_space<hbm>> -> memref<32x1024xf32, #tpu.memory_space<hbm>>
    %dma_start3A_6 = arith.constant 0 : i32
    %dma_start3A_7 = tpu.memref_slice %arg2[%add3A_4, %dma_start3A_6] : memref<8192x1024xf32, #tpu.memory_space<hbm>> -> memref<32x1024xf32, #tpu.memory_space<hbm>>
    tpu.enqueue_dma source(%dma_start3A_7 : memref<32x1024xf32, #tpu.memory_space<hbm>>) target(%arg6 : memref<32x1024xf32, #tpu.memory_space<vmem>>) target_semaphore(%arg9 : memref<!tpu.dma_semaphore, #tpu.memory_space<semaphore_mem>>)
    %mul3A_8 = arith.constant 256 : i32
    %mul3A_9 = arith.muli %add3A, %mul3A_8 : i32
    %add3A_10 = arith.constant 32 : i32
    %add3A_11 = arith.addi %mul3A_9, %add3A_10 : i32
    %dma_start3A_12 = arith.constant 0 : i32
    %dma_start3A_13 = tpu.memref_slice %arg2[%add3A_11, %dma_start3A_12] : memref<8192x1024xf32, #tpu.memory_space<hbm>> -> memref<32x1024xf32, #tpu.memory_space<hbm>>
    %dma_start3A_14 = arith.constant 0 : i32
    %dma_start3A_15 = tpu.memref_slice %arg2[%add3A_11, %dma_start3A_14] : memref<8192x1024xf32, #tpu.memory_space<hbm>> -> memref<32x1024xf32, #tpu.memory_space<hbm>>
    tpu.enqueue_dma source(%dma_start3A_15 : memref<32x1024xf32, #tpu.memory_space<hbm>>) target(%arg7 : memref<32x1024xf32, #tpu.memory_space<vmem>>) target_semaphore(%arg10 : memref<!tpu.dma_semaphore, #tpu.memory_space<semaphore_mem>>)
    %dma_wait3A = arith.constant 0 : i32
    %dma_wait3A_16 = tpu.memref_slice %arg2[%add3A_4, %dma_wait3A] : memref<8192x1024xf32, #tpu.memory_space<hbm>> -> memref<32x1024xf32, #tpu.memory_space<hbm>>
    %dma_wait3A_17 = arith.constant 0 : i32
    %dma_wait3A_18 = tpu.memref_slice %arg2[%add3A_4, %dma_wait3A_17] : memref<8192x1024xf32, #tpu.memory_space<hbm>> -> memref<32x1024xf32, #tpu.memory_space<hbm>>
    tpu.wait_dma2 semaphore(%arg9 : memref<!tpu.dma_semaphore, #tpu.memory_space<semaphore_mem>>) src(%dma_wait3A_18 : memref<32x1024xf32, #tpu.memory_space<hbm>>) dst(%arg6 : memref<32x1024xf32, #tpu.memory_space<vmem>>)
    %dma_start3A_19 = arith.constant 0 : i32
    %dma_start3A_20 = arith.constant 0 : i32
    %dma_start3A_21 = tpu.memref_slice %arg5[%dma_start3A_19, %dma_start3A_20] : memref<8x32xi32, #tpu.memory_space<vmem>> -> memref<1x32xi32, #tpu.memory_space<vmem>>
    %dma_start3A_22 = tpu.memref_squeeze %dma_start3A_21 : memref<1x32xi32, #tpu.memory_space<vmem>> -> memref<32xi32, #tpu.memory_space<vmem>>
    %dma_start3A_23 = arith.constant 0 : i32
    %dma_start3A_24 = arith.constant 0 : i32
    %dma_start3A_25 = tpu.memref_slice %arg4[%dma_start3A_23, %dma_start3A_24] : memref<12032x1024xf32, #tpu.memory_space<hbm>> -> memref<12032x1024xf32, #tpu.memory_space<hbm>>
    tpu.enqueue_indirect_dma source(%arg6 : memref<32x1024xf32, #tpu.memory_space<vmem>>) target(%dma_start3A_25 : memref<12032x1024xf32, #tpu.memory_space<hbm>>) offsets(%dma_start3A_22 : memref<32xi32, #tpu.memory_space<vmem>>) semaphore(%arg12 : memref<!tpu.dma_semaphore, #tpu.memory_space<semaphore_mem>>)
    %mul3A_26 = arith.constant 256 : i32
    %mul3A_27 = arith.muli %add3A, %mul3A_26 : i32
    %add3A_28 = arith.constant 64 : i32
    %add3A_29 = arith.addi %mul3A_27, %add3A_28 : i32
    %dma_start3A_30 = arith.constant 0 : i32
    %dma_start3A_31 = tpu.memref_slice %arg2[%add3A_29, %dma_start3A_30] : memref<8192x1024xf32, #tpu.memory_space<hbm>> -> memref<32x1024xf32, #tpu.memory_space<hbm>>
    %dma_start3A_32 = arith.constant 0 : i32
    %dma_start3A_33 = tpu.memref_slice %arg2[%add3A_29, %dma_start3A_32] : memref<8192x1024xf32, #tpu.memory_space<hbm>> -> memref<32x1024xf32, #tpu.memory_space<hbm>>
    tpu.enqueue_dma source(%dma_start3A_33 : memref<32x1024xf32, #tpu.memory_space<hbm>>) target(%arg8 : memref<32x1024xf32, #tpu.memory_space<vmem>>) target_semaphore(%arg11 : memref<!tpu.dma_semaphore, #tpu.memory_space<semaphore_mem>>)
    %dma_wait3A_34 = arith.constant 0 : i32
    %dma_wait3A_35 = tpu.memref_slice %arg2[%add3A_11, %dma_wait3A_34] : memref<8192x1024xf32, #tpu.memory_space<hbm>> -> memref<32x1024xf32, #tpu.memory_space<hbm>>
    %dma_wait3A_36 = arith.constant 0 : i32
    %dma_wait3A_37 = tpu.memref_slice %arg2[%add3A_11, %dma_wait3A_36] : memref<8192x1024xf32, #tpu.memory_space<hbm>> -> memref<32x1024xf32, #tpu.memory_space<hbm>>
    tpu.wait_dma2 semaphore(%arg10 : memref<!tpu.dma_semaphore, #tpu.memory_space<semaphore_mem>>) src(%dma_wait3A_37 : memref<32x1024xf32, #tpu.memory_space<hbm>>) dst(%arg7 : memref<32x1024xf32, #tpu.memory_space<vmem>>)
    %dma_start3A_38 = arith.constant 1 : i32
    %dma_start3A_39 = arith.constant 0 : i32
    %dma_start3A_40 = tpu.memref_slice %arg5[%dma_start3A_38, %dma_start3A_39] : memref<8x32xi32, #tpu.memory_space<vmem>> -> memref<1x32xi32, #tpu.memory_space<vmem>>
    %dma_start3A_41 = tpu.memref_squeeze %dma_start3A_40 : memref<1x32xi32, #tpu.memory_space<vmem>> -> memref<32xi32, #tpu.memory_space<vmem>>
    %dma_start3A_42 = arith.constant 0 : i32
    %dma_start3A_43 = arith.constant 0 : i32
    %dma_start3A_44 = tpu.memref_slice %arg4[%dma_start3A_42, %dma_start3A_43] : memref<12032x1024xf32, #tpu.memory_space<hbm>> -> memref<12032x1024xf32, #tpu.memory_space<hbm>>
    tpu.enqueue_indirect_dma source(%arg7 : memref<32x1024xf32, #tpu.memory_space<vmem>>) target(%dma_start3A_44 : memref<12032x1024xf32, #tpu.memory_space<hbm>>) offsets(%dma_start3A_41 : memref<32xi32, #tpu.memory_space<vmem>>) semaphore(%arg13 : memref<!tpu.dma_semaphore, #tpu.memory_space<semaphore_mem>>)
    %dma_wait3A_45 = arith.constant 0 : i32
    %dma_wait3A_46 = arith.constant 0 : i32
    %dma_wait3A_47 = tpu.memref_slice %arg5[%dma_wait3A_45, %dma_wait3A_46] : memref<8x32xi32, #tpu.memory_space<vmem>> -> memref<1x32xi32, #tpu.memory_space<vmem>>
    %dma_wait3A_48 = tpu.memref_squeeze %dma_wait3A_47 : memref<1x32xi32, #tpu.memory_space<vmem>> -> memref<32xi32, #tpu.memory_space<vmem>>
    %dma_wait3A_49 = arith.constant 0 : i32
    %dma_wait3A_50 = arith.constant 0 : i32
    %dma_wait3A_51 = tpu.memref_slice %arg4[%dma_wait3A_49, %dma_wait3A_50] : memref<12032x1024xf32, #tpu.memory_space<hbm>> -> memref<12032x1024xf32, #tpu.memory_space<hbm>>
    tpu.wait_indirect_dma semaphore(%arg12 : memref<!tpu.dma_semaphore, #tpu.memory_space<semaphore_mem>>) src(%arg6 : memref<32x1024xf32, #tpu.memory_space<vmem>>) dst(%dma_wait3A_51 : memref<12032x1024xf32, #tpu.memory_space<hbm>>)
    %mul3A_52 = arith.constant 256 : i32
    %mul3A_53 = arith.muli %add3A, %mul3A_52 : i32
    %add3A_54 = arith.constant 96 : i32
    %add3A_55 = arith.addi %mul3A_53, %add3A_54 : i32
    %dma_start3A_56 = arith.constant 0 : i32
    %dma_start3A_57 = tpu.memref_slice %arg2[%add3A_55, %dma_start3A_56] : memref<8192x1024xf32, #tpu.memory_space<hbm>> -> memref<32x1024xf32, #tpu.memory_space<hbm>>
    %dma_start3A_58 = arith.constant 0 : i32
    %dma_start3A_59 = tpu.memref_slice %arg2[%add3A_55, %dma_start3A_58] : memref<8192x1024xf32, #tpu.memory_space<hbm>> -> memref<32x1024xf32, #tpu.memory_space<hbm>>
    tpu.enqueue_dma source(%dma_start3A_59 : memref<32x1024xf32, #tpu.memory_space<hbm>>) target(%arg6 : memref<32x1024xf32, #tpu.memory_space<vmem>>) target_semaphore(%arg9 : memref<!tpu.dma_semaphore, #tpu.memory_space<semaphore_mem>>)
    %dma_wait3A_60 = arith.constant 0 : i32
    %dma_wait3A_61 = tpu.memref_slice %arg2[%add3A_29, %dma_wait3A_60] : memref<8192x1024xf32, #tpu.memory_space<hbm>> -> memref<32x1024xf32, #tpu.memory_space<hbm>>
    %dma_wait3A_62 = arith.constant 0 : i32
    %dma_wait3A_63 = tpu.memref_slice %arg2[%add3A_29, %dma_wait3A_62] : memref<8192x1024xf32, #tpu.memory_space<hbm>> -> memref<32x1024xf32, #tpu.memory_space<hbm>>
    tpu.wait_dma2 semaphore(%arg11 : memref<!tpu.dma_semaphore, #tpu.memory_space<semaphore_mem>>) src(%dma_wait3A_63 : memref<32x1024xf32, #tpu.memory_space<hbm>>) dst(%arg8 : memref<32x1024xf32, #tpu.memory_space<vmem>>)
    %dma_start3A_64 = arith.constant 2 : i32
    %dma_start3A_65 = arith.constant 0 : i32
    %dma_start3A_66 = tpu.memref_slice %arg5[%dma_start3A_64, %dma_start3A_65] : memref<8x32xi32, #tpu.memory_space<vmem>> -> memref<1x32xi32, #tpu.memory_space<vmem>>
    %dma_start3A_67 = tpu.memref_squeeze %dma_start3A_66 : memref<1x32xi32, #tpu.memory_space<vmem>> -> memref<32xi32, #tpu.memory_space<vmem>>
    %dma_start3A_68 = arith.constant 0 : i32
    %dma_start3A_69 = arith.constant 0 : i32
    %dma_start3A_70 = tpu.memref_slice %arg4[%dma_start3A_68, %dma_start3A_69] : memref<12032x1024xf32, #tpu.memory_space<hbm>> -> memref<12032x1024xf32, #tpu.memory_space<hbm>>
    tpu.enqueue_indirect_dma source(%arg8 : memref<32x1024xf32, #tpu.memory_space<vmem>>) target(%dma_start3A_70 : memref<12032x1024xf32, #tpu.memory_space<hbm>>) offsets(%dma_start3A_67 : memref<32xi32, #tpu.memory_space<vmem>>) semaphore(%arg14 : memref<!tpu.dma_semaphore, #tpu.memory_space<semaphore_mem>>)
    %dma_wait3A_71 = arith.constant 1 : i32
    %dma_wait3A_72 = arith.constant 0 : i32
    %dma_wait3A_73 = tpu.memref_slice %arg5[%dma_wait3A_71, %dma_wait3A_72] : memref<8x32xi32, #tpu.memory_space<vmem>> -> memref<1x32xi32, #tpu.memory_space<vmem>>
    %dma_wait3A_74 = tpu.memref_squeeze %dma_wait3A_73 : memref<1x32xi32, #tpu.memory_space<vmem>> -> memref<32xi32, #tpu.memory_space<vmem>>
    %dma_wait3A_75 = arith.constant 0 : i32
    %dma_wait3A_76 = arith.constant 0 : i32
    %dma_wait3A_77 = tpu.memref_slice %arg4[%dma_wait3A_75, %dma_wait3A_76] : memref<12032x1024xf32, #tpu.memory_space<hbm>> -> memref<12032x1024xf32, #tpu.memory_space<hbm>>
    tpu.wait_indirect_dma semaphore(%arg13 : memref<!tpu.dma_semaphore, #tpu.memory_space<semaphore_mem>>) src(%arg7 : memref<32x1024xf32, #tpu.memory_space<vmem>>) dst(%dma_wait3A_77 : memref<12032x1024xf32, #tpu.memory_space<hbm>>)
    %mul3A_78 = arith.constant 256 : i32
    %mul3A_79 = arith.muli %add3A, %mul3A_78 : i32
    %add3A_80 = arith.constant 128 : i32
    %add3A_81 = arith.addi %mul3A_79, %add3A_80 : i32
    %dma_start3A_82 = arith.constant 0 : i32
    %dma_start3A_83 = tpu.memref_slice %arg2[%add3A_81, %dma_start3A_82] : memref<8192x1024xf32, #tpu.memory_space<hbm>> -> memref<32x1024xf32, #tpu.memory_space<hbm>>
    %dma_start3A_84 = arith.constant 0 : i32
    %dma_start3A_85 = tpu.memref_slice %arg2[%add3A_81, %dma_start3A_84] : memref<8192x1024xf32, #tpu.memory_space<hbm>> -> memref<32x1024xf32, #tpu.memory_space<hbm>>
    tpu.enqueue_dma source(%dma_start3A_85 : memref<32x1024xf32, #tpu.memory_space<hbm>>) target(%arg7 : memref<32x1024xf32, #tpu.memory_space<vmem>>) target_semaphore(%arg10 : memref<!tpu.dma_semaphore, #tpu.memory_space<semaphore_mem>>)
    %dma_wait3A_86 = arith.constant 0 : i32
    %dma_wait3A_87 = tpu.memref_slice %arg2[%add3A_55, %dma_wait3A_86] : memref<8192x1024xf32, #tpu.memory_space<hbm>> -> memref<32x1024xf32, #tpu.memory_space<hbm>>
    %dma_wait3A_88 = arith.constant 0 : i32
    %dma_wait3A_89 = tpu.memref_slice %arg2[%add3A_55, %dma_wait3A_88] : memref<8192x1024xf32, #tpu.memory_space<hbm>> -> memref<32x1024xf32, #tpu.memory_space<hbm>>
    tpu.wait_dma2 semaphore(%arg9 : memref<!tpu.dma_semaphore, #tpu.memory_space<semaphore_mem>>) src(%dma_wait3A_89 : memref<32x1024xf32, #tpu.memory_space<hbm>>) dst(%arg6 : memref<32x1024xf32, #tpu.memory_space<vmem>>)
    %dma_start3A_90 = arith.constant 3 : i32
    %dma_start3A_91 = arith.constant 0 : i32
    %dma_start3A_92 = tpu.memref_slice %arg5[%dma_start3A_90, %dma_start3A_91] : memref<8x32xi32, #tpu.memory_space<vmem>> -> memref<1x32xi32, #tpu.memory_space<vmem>>
    %dma_start3A_93 = tpu.memref_squeeze %dma_start3A_92 : memref<1x32xi32, #tpu.memory_space<vmem>> -> memref<32xi32, #tpu.memory_space<vmem>>
    %dma_start3A_94 = arith.constant 0 : i32
    %dma_start3A_95 = arith.constant 0 : i32
    %dma_start3A_96 = tpu.memref_slice %arg4[%dma_start3A_94, %dma_start3A_95] : memref<12032x1024xf32, #tpu.memory_space<hbm>> -> memref<12032x1024xf32, #tpu.memory_space<hbm>>
    tpu.enqueue_indirect_dma source(%arg6 : memref<32x1024xf32, #tpu.memory_space<vmem>>) target(%dma_start3A_96 : memref<12032x1024xf32, #tpu.memory_space<hbm>>) offsets(%dma_start3A_93 : memref<32xi32, #tpu.memory_space<vmem>>) semaphore(%arg12 : memref<!tpu.dma_semaphore, #tpu.memory_space<semaphore_mem>>)
    %dma_wait3A_97 = arith.constant 2 : i32
    %dma_wait3A_98 = arith.constant 0 : i32
    %dma_wait3A_99 = tpu.memref_slice %arg5[%dma_wait3A_97, %dma_wait3A_98] : memref<8x32xi32, #tpu.memory_space<vmem>> -> memref<1x32xi32, #tpu.memory_space<vmem>>
    %dma_wait3A_100 = tpu.memref_squeeze %dma_wait3A_99 : memref<1x32xi32, #tpu.memory_space<vmem>> -> memref<32xi32, #tpu.memory_space<vmem>>
    %dma_wait3A_101 = arith.constant 0 : i32
    %dma_wait3A_102 = arith.constant 0 : i32
    %dma_wait3A_103 = tpu.memref_slice %arg4[%dma_wait3A_101, %dma_wait3A_102] : memref<12032x1024xf32, #tpu.memory_space<hbm>> -> memref<12032x1024xf32, #tpu.memory_space<hbm>>
    tpu.wait_indirect_dma semaphore(%arg14 : memref<!tpu.dma_semaphore, #tpu.memory_space<semaphore_mem>>) src(%arg8 : memref<32x1024xf32, #tpu.memory_space<vmem>>) dst(%dma_wait3A_103 : memref<12032x1024xf32, #tpu.memory_space<hbm>>)
    %mul3A_104 = arith.constant 256 : i32
    %mul3A_105 = arith.muli %add3A, %mul3A_104 : i32
    %add3A_106 = arith.constant 160 : i32
    %add3A_107 = arith.addi %mul3A_105, %add3A_106 : i32
    %dma_start3A_108 = arith.constant 0 : i32
    %dma_start3A_109 = tpu.memref_slice %arg2[%add3A_107, %dma_start3A_108] : memref<8192x1024xf32, #tpu.memory_space<hbm>> -> memref<32x1024xf32, #tpu.memory_space<hbm>>
    %dma_start3A_110 = arith.constant 0 : i32
    %dma_start3A_111 = tpu.memref_slice %arg2[%add3A_107, %dma_start3A_110] : memref<8192x1024xf32, #tpu.memory_space<hbm>> -> memref<32x1024xf32, #tpu.memory_space<hbm>>
    tpu.enqueue_dma source(%dma_start3A_111 : memref<32x1024xf32, #tpu.memory_space<hbm>>) target(%arg8 : memref<32x1024xf32, #tpu.memory_space<vmem>>) target_semaphore(%arg11 : memref<!tpu.dma_semaphore, #tpu.memory_space<semaphore_mem>>)
    %dma_wait3A_112 = arith.constant 0 : i32
    %dma_wait3A_113 = tpu.memref_slice %arg2[%add3A_81, %dma_wait3A_112] : memref<8192x1024xf32, #tpu.memory_space<hbm>> -> memref<32x1024xf32, #tpu.memory_space<hbm>>
    %dma_wait3A_114 = arith.constant 0 : i32
    %dma_wait3A_115 = tpu.memref_slice %arg2[%add3A_81, %dma_wait3A_114] : memref<8192x1024xf32, #tpu.memory_space<hbm>> -> memref<32x1024xf32, #tpu.memory_space<hbm>>
    tpu.wait_dma2 semaphore(%arg10 : memref<!tpu.dma_semaphore, #tpu.memory_space<semaphore_mem>>) src(%dma_wait3A_115 : memref<32x1024xf32, #tpu.memory_space<hbm>>) dst(%arg7 : memref<32x1024xf32, #tpu.memory_space<vmem>>)
    %dma_start3A_116 = arith.constant 4 : i32
    %dma_start3A_117 = arith.constant 0 : i32
    %dma_start3A_118 = tpu.memref_slice %arg5[%dma_start3A_116, %dma_start3A_117] : memref<8x32xi32, #tpu.memory_space<vmem>> -> memref<1x32xi32, #tpu.memory_space<vmem>>
    %dma_start3A_119 = tpu.memref_squeeze %dma_start3A_118 : memref<1x32xi32, #tpu.memory_space<vmem>> -> memref<32xi32, #tpu.memory_space<vmem>>
    %dma_start3A_120 = arith.constant 0 : i32
    %dma_start3A_121 = arith.constant 0 : i32
    %dma_start3A_122 = tpu.memref_slice %arg4[%dma_start3A_120, %dma_start3A_121] : memref<12032x1024xf32, #tpu.memory_space<hbm>> -> memref<12032x1024xf32, #tpu.memory_space<hbm>>
    tpu.enqueue_indirect_dma source(%arg7 : memref<32x1024xf32, #tpu.memory_space<vmem>>) target(%dma_start3A_122 : memref<12032x1024xf32, #tpu.memory_space<hbm>>) offsets(%dma_start3A_119 : memref<32xi32, #tpu.memory_space<vmem>>) semaphore(%arg13 : memref<!tpu.dma_semaphore, #tpu.memory_space<semaphore_mem>>)
    %dma_wait3A_123 = arith.constant 3 : i32
    %dma_wait3A_124 = arith.constant 0 : i32
    %dma_wait3A_125 = tpu.memref_slice %arg5[%dma_wait3A_123, %dma_wait3A_124] : memref<8x32xi32, #tpu.memory_space<vmem>> -> memref<1x32xi32, #tpu.memory_space<vmem>>
    %dma_wait3A_126 = tpu.memref_squeeze %dma_wait3A_125 : memref<1x32xi32, #tpu.memory_space<vmem>> -> memref<32xi32, #tpu.memory_space<vmem>>
    %dma_wait3A_127 = arith.constant 0 : i32
    %dma_wait3A_128 = arith.constant 0 : i32
    %dma_wait3A_129 = tpu.memref_slice %arg4[%dma_wait3A_127, %dma_wait3A_128] : memref<12032x1024xf32, #tpu.memory_space<hbm>> -> memref<12032x1024xf32, #tpu.memory_space<hbm>>
    tpu.wait_indirect_dma semaphore(%arg12 : memref<!tpu.dma_semaphore, #tpu.memory_space<semaphore_mem>>) src(%arg6 : memref<32x1024xf32, #tpu.memory_space<vmem>>) dst(%dma_wait3A_129 : memref<12032x1024xf32, #tpu.memory_space<hbm>>)
    %mul3A_130 = arith.constant 256 : i32
    %mul3A_131 = arith.muli %add3A, %mul3A_130 : i32
    %add3A_132 = arith.constant 192 : i32
    %add3A_133 = arith.addi %mul3A_131, %add3A_132 : i32
    %dma_start3A_134 = arith.constant 0 : i32
    %dma_start3A_135 = tpu.memref_slice %arg2[%add3A_133, %dma_start3A_134] : memref<8192x1024xf32, #tpu.memory_space<hbm>> -> memref<32x1024xf32, #tpu.memory_space<hbm>>
    %dma_start3A_136 = arith.constant 0 : i32
    %dma_start3A_137 = tpu.memref_slice %arg2[%add3A_133, %dma_start3A_136] : memref<8192x1024xf32, #tpu.memory_space<hbm>> -> memref<32x1024xf32, #tpu.memory_space<hbm>>
    tpu.enqueue_dma source(%dma_start3A_137 : memref<32x1024xf32, #tpu.memory_space<hbm>>) target(%arg6 : memref<32x1024xf32, #tpu.memory_space<vmem>>) target_semaphore(%arg9 : memref<!tpu.dma_semaphore, #tpu.memory_space<semaphore_mem>>)
    %dma_wait3A_138 = arith.constant 0 : i32
    %dma_wait3A_139 = tpu.memref_slice %arg2[%add3A_107, %dma_wait3A_138] : memref<8192x1024xf32, #tpu.memory_space<hbm>> -> memref<32x1024xf32, #tpu.memory_space<hbm>>
    %dma_wait3A_140 = arith.constant 0 : i32
    %dma_wait3A_141 = tpu.memref_slice %arg2[%add3A_107, %dma_wait3A_140] : memref<8192x1024xf32, #tpu.memory_space<hbm>> -> memref<32x1024xf32, #tpu.memory_space<hbm>>
    tpu.wait_dma2 semaphore(%arg11 : memref<!tpu.dma_semaphore, #tpu.memory_space<semaphore_mem>>) src(%dma_wait3A_141 : memref<32x1024xf32, #tpu.memory_space<hbm>>) dst(%arg8 : memref<32x1024xf32, #tpu.memory_space<vmem>>)
    %dma_start3A_142 = arith.constant 5 : i32
    %dma_start3A_143 = arith.constant 0 : i32
    %dma_start3A_144 = tpu.memref_slice %arg5[%dma_start3A_142, %dma_start3A_143] : memref<8x32xi32, #tpu.memory_space<vmem>> -> memref<1x32xi32, #tpu.memory_space<vmem>>
    %dma_start3A_145 = tpu.memref_squeeze %dma_start3A_144 : memref<1x32xi32, #tpu.memory_space<vmem>> -> memref<32xi32, #tpu.memory_space<vmem>>
    %dma_start3A_146 = arith.constant 0 : i32
    %dma_start3A_147 = arith.constant 0 : i32
    %dma_start3A_148 = tpu.memref_slice %arg4[%dma_start3A_146, %dma_start3A_147] : memref<12032x1024xf32, #tpu.memory_space<hbm>> -> memref<12032x1024xf32, #tpu.memory_space<hbm>>
    tpu.enqueue_indirect_dma source(%arg8 : memref<32x1024xf32, #tpu.memory_space<vmem>>) target(%dma_start3A_148 : memref<12032x1024xf32, #tpu.memory_space<hbm>>) offsets(%dma_start3A_145 : memref<32xi32, #tpu.memory_space<vmem>>) semaphore(%arg14 : memref<!tpu.dma_semaphore, #tpu.memory_space<semaphore_mem>>)
    %dma_wait3A_149 = arith.constant 4 : i32
    %dma_wait3A_150 = arith.constant 0 : i32
    %dma_wait3A_151 = tpu.memref_slice %arg5[%dma_wait3A_149, %dma_wait3A_150] : memref<8x32xi32, #tpu.memory_space<vmem>> -> memref<1x32xi32, #tpu.memory_space<vmem>>
    %dma_wait3A_152 = tpu.memref_squeeze %dma_wait3A_151 : memref<1x32xi32, #tpu.memory_space<vmem>> -> memref<32xi32, #tpu.memory_space<vmem>>
    %dma_wait3A_153 = arith.constant 0 : i32
    %dma_wait3A_154 = arith.constant 0 : i32
    %dma_wait3A_155 = tpu.memref_slice %arg4[%dma_wait3A_153, %dma_wait3A_154] : memref<12032x1024xf32, #tpu.memory_space<hbm>> -> memref<12032x1024xf32, #tpu.memory_space<hbm>>
    tpu.wait_indirect_dma semaphore(%arg13 : memref<!tpu.dma_semaphore, #tpu.memory_space<semaphore_mem>>) src(%arg7 : memref<32x1024xf32, #tpu.memory_space<vmem>>) dst(%dma_wait3A_155 : memref<12032x1024xf32, #tpu.memory_space<hbm>>)
    %mul3A_156 = arith.constant 256 : i32
    %mul3A_157 = arith.muli %add3A, %mul3A_156 : i32
    %add3A_158 = arith.constant 224 : i32
    %add3A_159 = arith.addi %mul3A_157, %add3A_158 : i32
    %dma_start3A_160 = arith.constant 0 : i32
    %dma_start3A_161 = tpu.memref_slice %arg2[%add3A_159, %dma_start3A_160] : memref<8192x1024xf32, #tpu.memory_space<hbm>> -> memref<32x1024xf32, #tpu.memory_space<hbm>>
    %dma_start3A_162 = arith.constant 0 : i32
    %dma_start3A_163 = tpu.memref_slice %arg2[%add3A_159, %dma_start3A_162] : memref<8192x1024xf32, #tpu.memory_space<hbm>> -> memref<32x1024xf32, #tpu.memory_space<hbm>>
    tpu.enqueue_dma source(%dma_start3A_163 : memref<32x1024xf32, #tpu.memory_space<hbm>>) target(%arg7 : memref<32x1024xf32, #tpu.memory_space<vmem>>) target_semaphore(%arg10 : memref<!tpu.dma_semaphore, #tpu.memory_space<semaphore_mem>>)
    %dma_wait3A_164 = arith.constant 0 : i32
    %dma_wait3A_165 = tpu.memref_slice %arg2[%add3A_133, %dma_wait3A_164] : memref<8192x1024xf32, #tpu.memory_space<hbm>> -> memref<32x1024xf32, #tpu.memory_space<hbm>>
    %dma_wait3A_166 = arith.constant 0 : i32
    %dma_wait3A_167 = tpu.memref_slice %arg2[%add3A_133, %dma_wait3A_166] : memref<8192x1024xf32, #tpu.memory_space<hbm>> -> memref<32x1024xf32, #tpu.memory_space<hbm>>
    tpu.wait_dma2 semaphore(%arg9 : memref<!tpu.dma_semaphore, #tpu.memory_space<semaphore_mem>>) src(%dma_wait3A_167 : memref<32x1024xf32, #tpu.memory_space<hbm>>) dst(%arg6 : memref<32x1024xf32, #tpu.memory_space<vmem>>)
    %dma_start3A_168 = arith.constant 6 : i32
    %dma_start3A_169 = arith.constant 0 : i32
    %dma_start3A_170 = tpu.memref_slice %arg5[%dma_start3A_168, %dma_start3A_169] : memref<8x32xi32, #tpu.memory_space<vmem>> -> memref<1x32xi32, #tpu.memory_space<vmem>>
    %dma_start3A_171 = tpu.memref_squeeze %dma_start3A_170 : memref<1x32xi32, #tpu.memory_space<vmem>> -> memref<32xi32, #tpu.memory_space<vmem>>
    %dma_start3A_172 = arith.constant 0 : i32
    %dma_start3A_173 = arith.constant 0 : i32
    %dma_start3A_174 = tpu.memref_slice %arg4[%dma_start3A_172, %dma_start3A_173] : memref<12032x1024xf32, #tpu.memory_space<hbm>> -> memref<12032x1024xf32, #tpu.memory_space<hbm>>
    tpu.enqueue_indirect_dma source(%arg6 : memref<32x1024xf32, #tpu.memory_space<vmem>>) target(%dma_start3A_174 : memref<12032x1024xf32, #tpu.memory_space<hbm>>) offsets(%dma_start3A_171 : memref<32xi32, #tpu.memory_space<vmem>>) semaphore(%arg12 : memref<!tpu.dma_semaphore, #tpu.memory_space<semaphore_mem>>)
    %dma_wait3A_175 = arith.constant 0 : i32
    %dma_wait3A_176 = tpu.memref_slice %arg2[%add3A_159, %dma_wait3A_175] : memref<8192x1024xf32, #tpu.memory_space<hbm>> -> memref<32x1024xf32, #tpu.memory_space<hbm>>
    %dma_wait3A_177 = arith.constant 0 : i32
    %dma_wait3A_178 = tpu.memref_slice %arg2[%add3A_159, %dma_wait3A_177] : memref<8192x1024xf32, #tpu.memory_space<hbm>> -> memref<32x1024xf32, #tpu.memory_space<hbm>>
    tpu.wait_dma2 semaphore(%arg10 : memref<!tpu.dma_semaphore, #tpu.memory_space<semaphore_mem>>) src(%dma_wait3A_178 : memref<32x1024xf32, #tpu.memory_space<hbm>>) dst(%arg7 : memref<32x1024xf32, #tpu.memory_space<vmem>>)
    %dma_start3A_179 = arith.constant 7 : i32
    %dma_start3A_180 = arith.constant 0 : i32
    %dma_start3A_181 = tpu.memref_slice %arg5[%dma_start3A_179, %dma_start3A_180] : memref<8x32xi32, #tpu.memory_space<vmem>> -> memref<1x32xi32, #tpu.memory_space<vmem>>
    %dma_start3A_182 = tpu.memref_squeeze %dma_start3A_181 : memref<1x32xi32, #tpu.memory_space<vmem>> -> memref<32xi32, #tpu.memory_space<vmem>>
    %dma_start3A_183 = arith.constant 0 : i32
    %dma_start3A_184 = arith.constant 0 : i32
    %dma_start3A_185 = tpu.memref_slice %arg4[%dma_start3A_183, %dma_start3A_184] : memref<12032x1024xf32, #tpu.memory_space<hbm>> -> memref<12032x1024xf32, #tpu.memory_space<hbm>>
    tpu.enqueue_indirect_dma source(%arg7 : memref<32x1024xf32, #tpu.memory_space<vmem>>) target(%dma_start3A_185 : memref<12032x1024xf32, #tpu.memory_space<hbm>>) offsets(%dma_start3A_182 : memref<32xi32, #tpu.memory_space<vmem>>) semaphore(%arg13 : memref<!tpu.dma_semaphore, #tpu.memory_space<semaphore_mem>>)
    %dma_wait3A_186 = arith.constant 5 : i32
    %dma_wait3A_187 = arith.constant 0 : i32
    %dma_wait3A_188 = tpu.memref_slice %arg5[%dma_wait3A_186, %dma_wait3A_187] : memref<8x32xi32, #tpu.memory_space<vmem>> -> memref<1x32xi32, #tpu.memory_space<vmem>>
    %dma_wait3A_189 = tpu.memref_squeeze %dma_wait3A_188 : memref<1x32xi32, #tpu.memory_space<vmem>> -> memref<32xi32, #tpu.memory_space<vmem>>
    %dma_wait3A_190 = arith.constant 0 : i32
    %dma_wait3A_191 = arith.constant 0 : i32
    %dma_wait3A_192 = tpu.memref_slice %arg4[%dma_wait3A_190, %dma_wait3A_191] : memref<12032x1024xf32, #tpu.memory_space<hbm>> -> memref<12032x1024xf32, #tpu.memory_space<hbm>>
    tpu.wait_indirect_dma semaphore(%arg14 : memref<!tpu.dma_semaphore, #tpu.memory_space<semaphore_mem>>) src(%arg8 : memref<32x1024xf32, #tpu.memory_space<vmem>>) dst(%dma_wait3A_192 : memref<12032x1024xf32, #tpu.memory_space<hbm>>)
    %dma_wait3A_193 = arith.constant 6 : i32
    %dma_wait3A_194 = arith.constant 0 : i32
    %dma_wait3A_195 = tpu.memref_slice %arg5[%dma_wait3A_193, %dma_wait3A_194] : memref<8x32xi32, #tpu.memory_space<vmem>> -> memref<1x32xi32, #tpu.memory_space<vmem>>
    %dma_wait3A_196 = tpu.memref_squeeze %dma_wait3A_195 : memref<1x32xi32, #tpu.memory_space<vmem>> -> memref<32xi32, #tpu.memory_space<vmem>>
    %dma_wait3A_197 = arith.constant 0 : i32
    %dma_wait3A_198 = arith.constant 0 : i32
    %dma_wait3A_199 = tpu.memref_slice %arg4[%dma_wait3A_197, %dma_wait3A_198] : memref<12032x1024xf32, #tpu.memory_space<hbm>> -> memref<12032x1024xf32, #tpu.memory_space<hbm>>
    tpu.wait_indirect_dma semaphore(%arg12 : memref<!tpu.dma_semaphore, #tpu.memory_space<semaphore_mem>>) src(%arg6 : memref<32x1024xf32, #tpu.memory_space<vmem>>) dst(%dma_wait3A_199 : memref<12032x1024xf32, #tpu.memory_space<hbm>>)
    %dma_wait3A_200 = arith.constant 7 : i32
    %dma_wait3A_201 = arith.constant 0 : i32
    %dma_wait3A_202 = tpu.memref_slice %arg5[%dma_wait3A_200, %dma_wait3A_201] : memref<8x32xi32, #tpu.memory_space<vmem>> -> memref<1x32xi32, #tpu.memory_space<vmem>>
    %dma_wait3A_203 = tpu.memref_squeeze %dma_wait3A_202 : memref<1x32xi32, #tpu.memory_space<vmem>> -> memref<32xi32, #tpu.memory_space<vmem>>
    %dma_wait3A_204 = arith.constant 0 : i32
    %dma_wait3A_205 = arith.constant 0 : i32
    %dma_wait3A_206 = tpu.memref_slice %arg4[%dma_wait3A_204, %dma_wait3A_205] : memref<12032x1024xf32, #tpu.memory_space<hbm>> -> memref<12032x1024xf32, #tpu.memory_space<hbm>>
    tpu.wait_indirect_dma semaphore(%arg13 : memref<!tpu.dma_semaphore, #tpu.memory_space<semaphore_mem>>) src(%arg7 : memref<32x1024xf32, #tpu.memory_space<vmem>>) dst(%dma_wait3A_206 : memref<12032x1024xf32, #tpu.memory_space<hbm>>)
    return
  }
}

#map = affine_map<(d0, d1) -> (0, 0)>
#map1 = affine_map<(d0, d1) -> (0, 0, 0)>
module attributes {stable_mosaic.version = 14 : i64} {
  func.func @gather_k(%arg0: i32, %arg1: i32, %arg2: memref<12032x1024xf32, #tpu.memory_space<hbm>>, %arg3: memref<32x8x32xi32, #tpu.memory_space<hbm>>, %arg4: memref<8192x1024xf32, #tpu.memory_space<hbm>>, %arg5: memref<8x32xi32, #tpu.memory_space<vmem>>, %arg6: memref<32x1024xf32, #tpu.memory_space<vmem>>, %arg7: memref<32x1024xf32, #tpu.memory_space<vmem>>, %arg8: memref<32x1024xf32, #tpu.memory_space<vmem>>, %arg9: memref<!tpu.dma_semaphore, #tpu.memory_space<semaphore_mem>>, %arg10: memref<!tpu.dma_semaphore, #tpu.memory_space<semaphore_mem>>, %arg11: memref<!tpu.dma_semaphore, #tpu.memory_space<semaphore_mem>>, %arg12: memref<!tpu.dma_semaphore, #tpu.memory_space<semaphore_mem>>, %arg13: memref<!tpu.dma_semaphore, #tpu.memory_space<semaphore_mem>>, %arg14: memref<!tpu.dma_semaphore, #tpu.memory_space<semaphore_mem>>) attributes {dimension_semantics = [#tpu.dimension_semantics<core_parallel>, #tpu.dimension_semantics<subcore_parallel>], iteration_bounds = array<i64: 2, 16>, scalar_prefetch = 0 : i64, scratch_operands = 10 : i64, tpu.core_type = #tpu.core_type<sc_vector_subcore>, window_params = [{transform_indices = #map}, {transform_indices = #map1}, {transform_indices = #map}]} {
    %mul3A = arith.constant 2 : i32
    %mul3A_0 = arith.muli %arg1, %mul3A : i32
    %add3A = arith.addi %mul3A_0, %arg0 : i32
    "tpu.region"() ({
      %run_scoped3A = tpu.sem_alloc : memref<!tpu.dma_semaphore, #tpu.memory_space<semaphore_mem>>
      %dma_start3A_207 = arith.constant 0 : i32
      %dma_start3A_208 = arith.constant 0 : i32
      %dma_start3A_209 = tpu.memref_slice %arg3[%add3A, %dma_start3A_207, %dma_start3A_208] : memref<32x8x32xi32, #tpu.memory_space<hbm>> -> memref<1x8x32xi32, #tpu.memory_space<hbm>>
      %dma_start3A_210 = tpu.memref_squeeze %dma_start3A_209 : memref<1x8x32xi32, #tpu.memory_space<hbm>> -> memref<8x32xi32, #tpu.memory_space<hbm>>
      %dma_start3A_211 = arith.constant 0 : i32
      %dma_start3A_212 = arith.constant 0 : i32
      %dma_start3A_213 = tpu.memref_slice %arg3[%add3A, %dma_start3A_211, %dma_start3A_212] : memref<32x8x32xi32, #tpu.memory_space<hbm>> -> memref<1x8x32xi32, #tpu.memory_space<hbm>>
      %dma_start3A_214 = tpu.memref_squeeze %dma_start3A_213 : memref<1x8x32xi32, #tpu.memory_space<hbm>> -> memref<8x32xi32, #tpu.memory_space<hbm>>
      tpu.enqueue_dma source(%dma_start3A_214 : memref<8x32xi32, #tpu.memory_space<hbm>>) target(%arg5 : memref<8x32xi32, #tpu.memory_space<vmem>>) target_semaphore(%run_scoped3A : memref<!tpu.dma_semaphore, #tpu.memory_space<semaphore_mem>>)
      %dma_wait3A_215 = arith.constant 0 : i32
      %dma_wait3A_216 = arith.constant 0 : i32
      %dma_wait3A_217 = tpu.memref_slice %arg3[%add3A, %dma_wait3A_215, %dma_wait3A_216] : memref<32x8x32xi32, #tpu.memory_space<hbm>> -> memref<1x8x32xi32, #tpu.memory_space<hbm>>
      %dma_wait3A_218 = tpu.memref_squeeze %dma_wait3A_217 : memref<1x8x32xi32, #tpu.memory_space<hbm>> -> memref<8x32xi32, #tpu.memory_space<hbm>>
      %dma_wait3A_219 = arith.constant 0 : i32
      %dma_wait3A_220 = arith.constant 0 : i32
      %dma_wait3A_221 = tpu.memref_slice %arg3[%add3A, %dma_wait3A_219, %dma_wait3A_220] : memref<32x8x32xi32, #tpu.memory_space<hbm>> -> memref<1x8x32xi32, #tpu.memory_space<hbm>>
      %dma_wait3A_222 = tpu.memref_squeeze %dma_wait3A_221 : memref<1x8x32xi32, #tpu.memory_space<hbm>> -> memref<8x32xi32, #tpu.memory_space<hbm>>
      tpu.wait_dma2 semaphore(%run_scoped3A : memref<!tpu.dma_semaphore, #tpu.memory_space<semaphore_mem>>) src(%dma_wait3A_222 : memref<8x32xi32, #tpu.memory_space<hbm>>) dst(%arg5 : memref<8x32xi32, #tpu.memory_space<vmem>>)
      tpu.yield
    }) : () -> ()
    %dma_start3A = arith.constant 0 : i32
    %dma_start3A_1 = arith.constant 0 : i32
    %dma_start3A_2 = tpu.memref_slice %arg5[%dma_start3A, %dma_start3A_1] : memref<8x32xi32, #tpu.memory_space<vmem>> -> memref<1x32xi32, #tpu.memory_space<vmem>>
    %dma_start3A_3 = tpu.memref_squeeze %dma_start3A_2 : memref<1x32xi32, #tpu.memory_space<vmem>> -> memref<32xi32, #tpu.memory_space<vmem>>
    %dma_start3A_4 = arith.constant 0 : i32
    %dma_start3A_5 = arith.constant 0 : i32
    %dma_start3A_6 = tpu.memref_slice %arg2[%dma_start3A_4, %dma_start3A_5] : memref<12032x1024xf32, #tpu.memory_space<hbm>> -> memref<12032x1024xf32, #tpu.memory_space<hbm>>
    tpu.enqueue_indirect_dma source(%dma_start3A_6 : memref<12032x1024xf32, #tpu.memory_space<hbm>>) target(%arg6 : memref<32x1024xf32, #tpu.memory_space<vmem>>) offsets(%dma_start3A_3 : memref<32xi32, #tpu.memory_space<vmem>>) semaphore(%arg9 : memref<!tpu.dma_semaphore, #tpu.memory_space<semaphore_mem>>)
    %dma_start3A_7 = arith.constant 1 : i32
    %dma_start3A_8 = arith.constant 0 : i32
    %dma_start3A_9 = tpu.memref_slice %arg5[%dma_start3A_7, %dma_start3A_8] : memref<8x32xi32, #tpu.memory_space<vmem>> -> memref<1x32xi32, #tpu.memory_space<vmem>>
    %dma_start3A_10 = tpu.memref_squeeze %dma_start3A_9 : memref<1x32xi32, #tpu.memory_space<vmem>> -> memref<32xi32, #tpu.memory_space<vmem>>
    %dma_start3A_11 = arith.constant 0 : i32
    %dma_start3A_12 = arith.constant 0 : i32
    %dma_start3A_13 = tpu.memref_slice %arg2[%dma_start3A_11, %dma_start3A_12] : memref<12032x1024xf32, #tpu.memory_space<hbm>> -> memref<12032x1024xf32, #tpu.memory_space<hbm>>
    tpu.enqueue_indirect_dma source(%dma_start3A_13 : memref<12032x1024xf32, #tpu.memory_space<hbm>>) target(%arg7 : memref<32x1024xf32, #tpu.memory_space<vmem>>) offsets(%dma_start3A_10 : memref<32xi32, #tpu.memory_space<vmem>>) semaphore(%arg10 : memref<!tpu.dma_semaphore, #tpu.memory_space<semaphore_mem>>)
    %dma_wait3A = arith.constant 0 : i32
    %dma_wait3A_14 = arith.constant 0 : i32
    %dma_wait3A_15 = tpu.memref_slice %arg5[%dma_wait3A, %dma_wait3A_14] : memref<8x32xi32, #tpu.memory_space<vmem>> -> memref<1x32xi32, #tpu.memory_space<vmem>>
    %dma_wait3A_16 = tpu.memref_squeeze %dma_wait3A_15 : memref<1x32xi32, #tpu.memory_space<vmem>> -> memref<32xi32, #tpu.memory_space<vmem>>
    %dma_wait3A_17 = arith.constant 0 : i32
    %dma_wait3A_18 = arith.constant 0 : i32
    %dma_wait3A_19 = tpu.memref_slice %arg2[%dma_wait3A_17, %dma_wait3A_18] : memref<12032x1024xf32, #tpu.memory_space<hbm>> -> memref<12032x1024xf32, #tpu.memory_space<hbm>>
    tpu.wait_indirect_dma semaphore(%arg9 : memref<!tpu.dma_semaphore, #tpu.memory_space<semaphore_mem>>) src(%dma_wait3A_19 : memref<12032x1024xf32, #tpu.memory_space<hbm>>) dst(%arg6 : memref<32x1024xf32, #tpu.memory_space<vmem>>)
    %mul3A_20 = arith.constant 256 : i32
    %mul3A_21 = arith.muli %add3A, %mul3A_20 : i32
    %add3A_22 = arith.constant 0 : i32
    %add3A_23 = arith.addi %mul3A_21, %add3A_22 : i32
    %dma_start3A_24 = arith.constant 0 : i32
    %dma_start3A_25 = tpu.memref_slice %arg4[%add3A_23, %dma_start3A_24] : memref<8192x1024xf32, #tpu.memory_space<hbm>> -> memref<32x1024xf32, #tpu.memory_space<hbm>>
    %dma_start3A_26 = arith.constant 0 : i32
    %dma_start3A_27 = tpu.memref_slice %arg4[%add3A_23, %dma_start3A_26] : memref<8192x1024xf32, #tpu.memory_space<hbm>> -> memref<32x1024xf32, #tpu.memory_space<hbm>>
    tpu.enqueue_dma source(%arg6 : memref<32x1024xf32, #tpu.memory_space<vmem>>) target(%dma_start3A_27 : memref<32x1024xf32, #tpu.memory_space<hbm>>) target_semaphore(%arg12 : memref<!tpu.dma_semaphore, #tpu.memory_space<semaphore_mem>>)
    %dma_start3A_28 = arith.constant 2 : i32
    %dma_start3A_29 = arith.constant 0 : i32
    %dma_start3A_30 = tpu.memref_slice %arg5[%dma_start3A_28, %dma_start3A_29] : memref<8x32xi32, #tpu.memory_space<vmem>> -> memref<1x32xi32, #tpu.memory_space<vmem>>
    %dma_start3A_31 = tpu.memref_squeeze %dma_start3A_30 : memref<1x32xi32, #tpu.memory_space<vmem>> -> memref<32xi32, #tpu.memory_space<vmem>>
    %dma_start3A_32 = arith.constant 0 : i32
    %dma_start3A_33 = arith.constant 0 : i32
    %dma_start3A_34 = tpu.memref_slice %arg2[%dma_start3A_32, %dma_start3A_33] : memref<12032x1024xf32, #tpu.memory_space<hbm>> -> memref<12032x1024xf32, #tpu.memory_space<hbm>>
    tpu.enqueue_indirect_dma source(%dma_start3A_34 : memref<12032x1024xf32, #tpu.memory_space<hbm>>) target(%arg8 : memref<32x1024xf32, #tpu.memory_space<vmem>>) offsets(%dma_start3A_31 : memref<32xi32, #tpu.memory_space<vmem>>) semaphore(%arg11 : memref<!tpu.dma_semaphore, #tpu.memory_space<semaphore_mem>>)
    %dma_wait3A_35 = arith.constant 1 : i32
    %dma_wait3A_36 = arith.constant 0 : i32
    %dma_wait3A_37 = tpu.memref_slice %arg5[%dma_wait3A_35, %dma_wait3A_36] : memref<8x32xi32, #tpu.memory_space<vmem>> -> memref<1x32xi32, #tpu.memory_space<vmem>>
    %dma_wait3A_38 = tpu.memref_squeeze %dma_wait3A_37 : memref<1x32xi32, #tpu.memory_space<vmem>> -> memref<32xi32, #tpu.memory_space<vmem>>
    %dma_wait3A_39 = arith.constant 0 : i32
    %dma_wait3A_40 = arith.constant 0 : i32
    %dma_wait3A_41 = tpu.memref_slice %arg2[%dma_wait3A_39, %dma_wait3A_40] : memref<12032x1024xf32, #tpu.memory_space<hbm>> -> memref<12032x1024xf32, #tpu.memory_space<hbm>>
    tpu.wait_indirect_dma semaphore(%arg10 : memref<!tpu.dma_semaphore, #tpu.memory_space<semaphore_mem>>) src(%dma_wait3A_41 : memref<12032x1024xf32, #tpu.memory_space<hbm>>) dst(%arg7 : memref<32x1024xf32, #tpu.memory_space<vmem>>)
    %mul3A_42 = arith.constant 256 : i32
    %mul3A_43 = arith.muli %add3A, %mul3A_42 : i32
    %add3A_44 = arith.constant 32 : i32
    %add3A_45 = arith.addi %mul3A_43, %add3A_44 : i32
    %dma_start3A_46 = arith.constant 0 : i32
    %dma_start3A_47 = tpu.memref_slice %arg4[%add3A_45, %dma_start3A_46] : memref<8192x1024xf32, #tpu.memory_space<hbm>> -> memref<32x1024xf32, #tpu.memory_space<hbm>>
    %dma_start3A_48 = arith.constant 0 : i32
    %dma_start3A_49 = tpu.memref_slice %arg4[%add3A_45, %dma_start3A_48] : memref<8192x1024xf32, #tpu.memory_space<hbm>> -> memref<32x1024xf32, #tpu.memory_space<hbm>>
    tpu.enqueue_dma source(%arg7 : memref<32x1024xf32, #tpu.memory_space<vmem>>) target(%dma_start3A_49 : memref<32x1024xf32, #tpu.memory_space<hbm>>) target_semaphore(%arg13 : memref<!tpu.dma_semaphore, #tpu.memory_space<semaphore_mem>>)
    %dma_wait3A_50 = arith.constant 0 : i32
    %dma_wait3A_51 = tpu.memref_slice %arg4[%add3A_23, %dma_wait3A_50] : memref<8192x1024xf32, #tpu.memory_space<hbm>> -> memref<32x1024xf32, #tpu.memory_space<hbm>>
    %dma_wait3A_52 = arith.constant 0 : i32
    %dma_wait3A_53 = tpu.memref_slice %arg4[%add3A_23, %dma_wait3A_52] : memref<8192x1024xf32, #tpu.memory_space<hbm>> -> memref<32x1024xf32, #tpu.memory_space<hbm>>
    tpu.wait_dma2 semaphore(%arg12 : memref<!tpu.dma_semaphore, #tpu.memory_space<semaphore_mem>>) src(%arg6 : memref<32x1024xf32, #tpu.memory_space<vmem>>) dst(%dma_wait3A_53 : memref<32x1024xf32, #tpu.memory_space<hbm>>)
    %dma_start3A_54 = arith.constant 3 : i32
    %dma_start3A_55 = arith.constant 0 : i32
    %dma_start3A_56 = tpu.memref_slice %arg5[%dma_start3A_54, %dma_start3A_55] : memref<8x32xi32, #tpu.memory_space<vmem>> -> memref<1x32xi32, #tpu.memory_space<vmem>>
    %dma_start3A_57 = tpu.memref_squeeze %dma_start3A_56 : memref<1x32xi32, #tpu.memory_space<vmem>> -> memref<32xi32, #tpu.memory_space<vmem>>
    %dma_start3A_58 = arith.constant 0 : i32
    %dma_start3A_59 = arith.constant 0 : i32
    %dma_start3A_60 = tpu.memref_slice %arg2[%dma_start3A_58, %dma_start3A_59] : memref<12032x1024xf32, #tpu.memory_space<hbm>> -> memref<12032x1024xf32, #tpu.memory_space<hbm>>
    tpu.enqueue_indirect_dma source(%dma_start3A_60 : memref<12032x1024xf32, #tpu.memory_space<hbm>>) target(%arg6 : memref<32x1024xf32, #tpu.memory_space<vmem>>) offsets(%dma_start3A_57 : memref<32xi32, #tpu.memory_space<vmem>>) semaphore(%arg9 : memref<!tpu.dma_semaphore, #tpu.memory_space<semaphore_mem>>)
    %dma_wait3A_61 = arith.constant 2 : i32
    %dma_wait3A_62 = arith.constant 0 : i32
    %dma_wait3A_63 = tpu.memref_slice %arg5[%dma_wait3A_61, %dma_wait3A_62] : memref<8x32xi32, #tpu.memory_space<vmem>> -> memref<1x32xi32, #tpu.memory_space<vmem>>
    %dma_wait3A_64 = tpu.memref_squeeze %dma_wait3A_63 : memref<1x32xi32, #tpu.memory_space<vmem>> -> memref<32xi32, #tpu.memory_space<vmem>>
    %dma_wait3A_65 = arith.constant 0 : i32
    %dma_wait3A_66 = arith.constant 0 : i32
    %dma_wait3A_67 = tpu.memref_slice %arg2[%dma_wait3A_65, %dma_wait3A_66] : memref<12032x1024xf32, #tpu.memory_space<hbm>> -> memref<12032x1024xf32, #tpu.memory_space<hbm>>
    tpu.wait_indirect_dma semaphore(%arg11 : memref<!tpu.dma_semaphore, #tpu.memory_space<semaphore_mem>>) src(%dma_wait3A_67 : memref<12032x1024xf32, #tpu.memory_space<hbm>>) dst(%arg8 : memref<32x1024xf32, #tpu.memory_space<vmem>>)
    %mul3A_68 = arith.constant 256 : i32
    %mul3A_69 = arith.muli %add3A, %mul3A_68 : i32
    %add3A_70 = arith.constant 64 : i32
    %add3A_71 = arith.addi %mul3A_69, %add3A_70 : i32
    %dma_start3A_72 = arith.constant 0 : i32
    %dma_start3A_73 = tpu.memref_slice %arg4[%add3A_71, %dma_start3A_72] : memref<8192x1024xf32, #tpu.memory_space<hbm>> -> memref<32x1024xf32, #tpu.memory_space<hbm>>
    %dma_start3A_74 = arith.constant 0 : i32
    %dma_start3A_75 = tpu.memref_slice %arg4[%add3A_71, %dma_start3A_74] : memref<8192x1024xf32, #tpu.memory_space<hbm>> -> memref<32x1024xf32, #tpu.memory_space<hbm>>
    tpu.enqueue_dma source(%arg8 : memref<32x1024xf32, #tpu.memory_space<vmem>>) target(%dma_start3A_75 : memref<32x1024xf32, #tpu.memory_space<hbm>>) target_semaphore(%arg14 : memref<!tpu.dma_semaphore, #tpu.memory_space<semaphore_mem>>)
    %dma_wait3A_76 = arith.constant 0 : i32
    %dma_wait3A_77 = tpu.memref_slice %arg4[%add3A_45, %dma_wait3A_76] : memref<8192x1024xf32, #tpu.memory_space<hbm>> -> memref<32x1024xf32, #tpu.memory_space<hbm>>
    %dma_wait3A_78 = arith.constant 0 : i32
    %dma_wait3A_79 = tpu.memref_slice %arg4[%add3A_45, %dma_wait3A_78] : memref<8192x1024xf32, #tpu.memory_space<hbm>> -> memref<32x1024xf32, #tpu.memory_space<hbm>>
    tpu.wait_dma2 semaphore(%arg13 : memref<!tpu.dma_semaphore, #tpu.memory_space<semaphore_mem>>) src(%arg7 : memref<32x1024xf32, #tpu.memory_space<vmem>>) dst(%dma_wait3A_79 : memref<32x1024xf32, #tpu.memory_space<hbm>>)
    %dma_start3A_80 = arith.constant 4 : i32
    %dma_start3A_81 = arith.constant 0 : i32
    %dma_start3A_82 = tpu.memref_slice %arg5[%dma_start3A_80, %dma_start3A_81] : memref<8x32xi32, #tpu.memory_space<vmem>> -> memref<1x32xi32, #tpu.memory_space<vmem>>
    %dma_start3A_83 = tpu.memref_squeeze %dma_start3A_82 : memref<1x32xi32, #tpu.memory_space<vmem>> -> memref<32xi32, #tpu.memory_space<vmem>>
    %dma_start3A_84 = arith.constant 0 : i32
    %dma_start3A_85 = arith.constant 0 : i32
    %dma_start3A_86 = tpu.memref_slice %arg2[%dma_start3A_84, %dma_start3A_85] : memref<12032x1024xf32, #tpu.memory_space<hbm>> -> memref<12032x1024xf32, #tpu.memory_space<hbm>>
    tpu.enqueue_indirect_dma source(%dma_start3A_86 : memref<12032x1024xf32, #tpu.memory_space<hbm>>) target(%arg7 : memref<32x1024xf32, #tpu.memory_space<vmem>>) offsets(%dma_start3A_83 : memref<32xi32, #tpu.memory_space<vmem>>) semaphore(%arg10 : memref<!tpu.dma_semaphore, #tpu.memory_space<semaphore_mem>>)
    %dma_wait3A_87 = arith.constant 3 : i32
    %dma_wait3A_88 = arith.constant 0 : i32
    %dma_wait3A_89 = tpu.memref_slice %arg5[%dma_wait3A_87, %dma_wait3A_88] : memref<8x32xi32, #tpu.memory_space<vmem>> -> memref<1x32xi32, #tpu.memory_space<vmem>>
    %dma_wait3A_90 = tpu.memref_squeeze %dma_wait3A_89 : memref<1x32xi32, #tpu.memory_space<vmem>> -> memref<32xi32, #tpu.memory_space<vmem>>
    %dma_wait3A_91 = arith.constant 0 : i32
    %dma_wait3A_92 = arith.constant 0 : i32
    %dma_wait3A_93 = tpu.memref_slice %arg2[%dma_wait3A_91, %dma_wait3A_92] : memref<12032x1024xf32, #tpu.memory_space<hbm>> -> memref<12032x1024xf32, #tpu.memory_space<hbm>>
    tpu.wait_indirect_dma semaphore(%arg9 : memref<!tpu.dma_semaphore, #tpu.memory_space<semaphore_mem>>) src(%dma_wait3A_93 : memref<12032x1024xf32, #tpu.memory_space<hbm>>) dst(%arg6 : memref<32x1024xf32, #tpu.memory_space<vmem>>)
    %mul3A_94 = arith.constant 256 : i32
    %mul3A_95 = arith.muli %add3A, %mul3A_94 : i32
    %add3A_96 = arith.constant 96 : i32
    %add3A_97 = arith.addi %mul3A_95, %add3A_96 : i32
    %dma_start3A_98 = arith.constant 0 : i32
    %dma_start3A_99 = tpu.memref_slice %arg4[%add3A_97, %dma_start3A_98] : memref<8192x1024xf32, #tpu.memory_space<hbm>> -> memref<32x1024xf32, #tpu.memory_space<hbm>>
    %dma_start3A_100 = arith.constant 0 : i32
    %dma_start3A_101 = tpu.memref_slice %arg4[%add3A_97, %dma_start3A_100] : memref<8192x1024xf32, #tpu.memory_space<hbm>> -> memref<32x1024xf32, #tpu.memory_space<hbm>>
    tpu.enqueue_dma source(%arg6 : memref<32x1024xf32, #tpu.memory_space<vmem>>) target(%dma_start3A_101 : memref<32x1024xf32, #tpu.memory_space<hbm>>) target_semaphore(%arg12 : memref<!tpu.dma_semaphore, #tpu.memory_space<semaphore_mem>>)
    %dma_wait3A_102 = arith.constant 0 : i32
    %dma_wait3A_103 = tpu.memref_slice %arg4[%add3A_71, %dma_wait3A_102] : memref<8192x1024xf32, #tpu.memory_space<hbm>> -> memref<32x1024xf32, #tpu.memory_space<hbm>>
    %dma_wait3A_104 = arith.constant 0 : i32
    %dma_wait3A_105 = tpu.memref_slice %arg4[%add3A_71, %dma_wait3A_104] : memref<8192x1024xf32, #tpu.memory_space<hbm>> -> memref<32x1024xf32, #tpu.memory_space<hbm>>
    tpu.wait_dma2 semaphore(%arg14 : memref<!tpu.dma_semaphore, #tpu.memory_space<semaphore_mem>>) src(%arg8 : memref<32x1024xf32, #tpu.memory_space<vmem>>) dst(%dma_wait3A_105 : memref<32x1024xf32, #tpu.memory_space<hbm>>)
    %dma_start3A_106 = arith.constant 5 : i32
    %dma_start3A_107 = arith.constant 0 : i32
    %dma_start3A_108 = tpu.memref_slice %arg5[%dma_start3A_106, %dma_start3A_107] : memref<8x32xi32, #tpu.memory_space<vmem>> -> memref<1x32xi32, #tpu.memory_space<vmem>>
    %dma_start3A_109 = tpu.memref_squeeze %dma_start3A_108 : memref<1x32xi32, #tpu.memory_space<vmem>> -> memref<32xi32, #tpu.memory_space<vmem>>
    %dma_start3A_110 = arith.constant 0 : i32
    %dma_start3A_111 = arith.constant 0 : i32
    %dma_start3A_112 = tpu.memref_slice %arg2[%dma_start3A_110, %dma_start3A_111] : memref<12032x1024xf32, #tpu.memory_space<hbm>> -> memref<12032x1024xf32, #tpu.memory_space<hbm>>
    tpu.enqueue_indirect_dma source(%dma_start3A_112 : memref<12032x1024xf32, #tpu.memory_space<hbm>>) target(%arg8 : memref<32x1024xf32, #tpu.memory_space<vmem>>) offsets(%dma_start3A_109 : memref<32xi32, #tpu.memory_space<vmem>>) semaphore(%arg11 : memref<!tpu.dma_semaphore, #tpu.memory_space<semaphore_mem>>)
    %dma_wait3A_113 = arith.constant 4 : i32
    %dma_wait3A_114 = arith.constant 0 : i32
    %dma_wait3A_115 = tpu.memref_slice %arg5[%dma_wait3A_113, %dma_wait3A_114] : memref<8x32xi32, #tpu.memory_space<vmem>> -> memref<1x32xi32, #tpu.memory_space<vmem>>
    %dma_wait3A_116 = tpu.memref_squeeze %dma_wait3A_115 : memref<1x32xi32, #tpu.memory_space<vmem>> -> memref<32xi32, #tpu.memory_space<vmem>>
    %dma_wait3A_117 = arith.constant 0 : i32
    %dma_wait3A_118 = arith.constant 0 : i32
    %dma_wait3A_119 = tpu.memref_slice %arg2[%dma_wait3A_117, %dma_wait3A_118] : memref<12032x1024xf32, #tpu.memory_space<hbm>> -> memref<12032x1024xf32, #tpu.memory_space<hbm>>
    tpu.wait_indirect_dma semaphore(%arg10 : memref<!tpu.dma_semaphore, #tpu.memory_space<semaphore_mem>>) src(%dma_wait3A_119 : memref<12032x1024xf32, #tpu.memory_space<hbm>>) dst(%arg7 : memref<32x1024xf32, #tpu.memory_space<vmem>>)
    %mul3A_120 = arith.constant 256 : i32
    %mul3A_121 = arith.muli %add3A, %mul3A_120 : i32
    %add3A_122 = arith.constant 128 : i32
    %add3A_123 = arith.addi %mul3A_121, %add3A_122 : i32
    %dma_start3A_124 = arith.constant 0 : i32
    %dma_start3A_125 = tpu.memref_slice %arg4[%add3A_123, %dma_start3A_124] : memref<8192x1024xf32, #tpu.memory_space<hbm>> -> memref<32x1024xf32, #tpu.memory_space<hbm>>
    %dma_start3A_126 = arith.constant 0 : i32
    %dma_start3A_127 = tpu.memref_slice %arg4[%add3A_123, %dma_start3A_126] : memref<8192x1024xf32, #tpu.memory_space<hbm>> -> memref<32x1024xf32, #tpu.memory_space<hbm>>
    tpu.enqueue_dma source(%arg7 : memref<32x1024xf32, #tpu.memory_space<vmem>>) target(%dma_start3A_127 : memref<32x1024xf32, #tpu.memory_space<hbm>>) target_semaphore(%arg13 : memref<!tpu.dma_semaphore, #tpu.memory_space<semaphore_mem>>)
    %dma_wait3A_128 = arith.constant 0 : i32
    %dma_wait3A_129 = tpu.memref_slice %arg4[%add3A_97, %dma_wait3A_128] : memref<8192x1024xf32, #tpu.memory_space<hbm>> -> memref<32x1024xf32, #tpu.memory_space<hbm>>
    %dma_wait3A_130 = arith.constant 0 : i32
    %dma_wait3A_131 = tpu.memref_slice %arg4[%add3A_97, %dma_wait3A_130] : memref<8192x1024xf32, #tpu.memory_space<hbm>> -> memref<32x1024xf32, #tpu.memory_space<hbm>>
    tpu.wait_dma2 semaphore(%arg12 : memref<!tpu.dma_semaphore, #tpu.memory_space<semaphore_mem>>) src(%arg6 : memref<32x1024xf32, #tpu.memory_space<vmem>>) dst(%dma_wait3A_131 : memref<32x1024xf32, #tpu.memory_space<hbm>>)
    %dma_start3A_132 = arith.constant 6 : i32
    %dma_start3A_133 = arith.constant 0 : i32
    %dma_start3A_134 = tpu.memref_slice %arg5[%dma_start3A_132, %dma_start3A_133] : memref<8x32xi32, #tpu.memory_space<vmem>> -> memref<1x32xi32, #tpu.memory_space<vmem>>
    %dma_start3A_135 = tpu.memref_squeeze %dma_start3A_134 : memref<1x32xi32, #tpu.memory_space<vmem>> -> memref<32xi32, #tpu.memory_space<vmem>>
    %dma_start3A_136 = arith.constant 0 : i32
    %dma_start3A_137 = arith.constant 0 : i32
    %dma_start3A_138 = tpu.memref_slice %arg2[%dma_start3A_136, %dma_start3A_137] : memref<12032x1024xf32, #tpu.memory_space<hbm>> -> memref<12032x1024xf32, #tpu.memory_space<hbm>>
    tpu.enqueue_indirect_dma source(%dma_start3A_138 : memref<12032x1024xf32, #tpu.memory_space<hbm>>) target(%arg6 : memref<32x1024xf32, #tpu.memory_space<vmem>>) offsets(%dma_start3A_135 : memref<32xi32, #tpu.memory_space<vmem>>) semaphore(%arg9 : memref<!tpu.dma_semaphore, #tpu.memory_space<semaphore_mem>>)
    %dma_wait3A_139 = arith.constant 5 : i32
    %dma_wait3A_140 = arith.constant 0 : i32
    %dma_wait3A_141 = tpu.memref_slice %arg5[%dma_wait3A_139, %dma_wait3A_140] : memref<8x32xi32, #tpu.memory_space<vmem>> -> memref<1x32xi32, #tpu.memory_space<vmem>>
    %dma_wait3A_142 = tpu.memref_squeeze %dma_wait3A_141 : memref<1x32xi32, #tpu.memory_space<vmem>> -> memref<32xi32, #tpu.memory_space<vmem>>
    %dma_wait3A_143 = arith.constant 0 : i32
    %dma_wait3A_144 = arith.constant 0 : i32
    %dma_wait3A_145 = tpu.memref_slice %arg2[%dma_wait3A_143, %dma_wait3A_144] : memref<12032x1024xf32, #tpu.memory_space<hbm>> -> memref<12032x1024xf32, #tpu.memory_space<hbm>>
    tpu.wait_indirect_dma semaphore(%arg11 : memref<!tpu.dma_semaphore, #tpu.memory_space<semaphore_mem>>) src(%dma_wait3A_145 : memref<12032x1024xf32, #tpu.memory_space<hbm>>) dst(%arg8 : memref<32x1024xf32, #tpu.memory_space<vmem>>)
    %mul3A_146 = arith.constant 256 : i32
    %mul3A_147 = arith.muli %add3A, %mul3A_146 : i32
    %add3A_148 = arith.constant 160 : i32
    %add3A_149 = arith.addi %mul3A_147, %add3A_148 : i32
    %dma_start3A_150 = arith.constant 0 : i32
    %dma_start3A_151 = tpu.memref_slice %arg4[%add3A_149, %dma_start3A_150] : memref<8192x1024xf32, #tpu.memory_space<hbm>> -> memref<32x1024xf32, #tpu.memory_space<hbm>>
    %dma_start3A_152 = arith.constant 0 : i32
    %dma_start3A_153 = tpu.memref_slice %arg4[%add3A_149, %dma_start3A_152] : memref<8192x1024xf32, #tpu.memory_space<hbm>> -> memref<32x1024xf32, #tpu.memory_space<hbm>>
    tpu.enqueue_dma source(%arg8 : memref<32x1024xf32, #tpu.memory_space<vmem>>) target(%dma_start3A_153 : memref<32x1024xf32, #tpu.memory_space<hbm>>) target_semaphore(%arg14 : memref<!tpu.dma_semaphore, #tpu.memory_space<semaphore_mem>>)
    %dma_wait3A_154 = arith.constant 0 : i32
    %dma_wait3A_155 = tpu.memref_slice %arg4[%add3A_123, %dma_wait3A_154] : memref<8192x1024xf32, #tpu.memory_space<hbm>> -> memref<32x1024xf32, #tpu.memory_space<hbm>>
    %dma_wait3A_156 = arith.constant 0 : i32
    %dma_wait3A_157 = tpu.memref_slice %arg4[%add3A_123, %dma_wait3A_156] : memref<8192x1024xf32, #tpu.memory_space<hbm>> -> memref<32x1024xf32, #tpu.memory_space<hbm>>
    tpu.wait_dma2 semaphore(%arg13 : memref<!tpu.dma_semaphore, #tpu.memory_space<semaphore_mem>>) src(%arg7 : memref<32x1024xf32, #tpu.memory_space<vmem>>) dst(%dma_wait3A_157 : memref<32x1024xf32, #tpu.memory_space<hbm>>)
    %dma_start3A_158 = arith.constant 7 : i32
    %dma_start3A_159 = arith.constant 0 : i32
    %dma_start3A_160 = tpu.memref_slice %arg5[%dma_start3A_158, %dma_start3A_159] : memref<8x32xi32, #tpu.memory_space<vmem>> -> memref<1x32xi32, #tpu.memory_space<vmem>>
    %dma_start3A_161 = tpu.memref_squeeze %dma_start3A_160 : memref<1x32xi32, #tpu.memory_space<vmem>> -> memref<32xi32, #tpu.memory_space<vmem>>
    %dma_start3A_162 = arith.constant 0 : i32
    %dma_start3A_163 = arith.constant 0 : i32
    %dma_start3A_164 = tpu.memref_slice %arg2[%dma_start3A_162, %dma_start3A_163] : memref<12032x1024xf32, #tpu.memory_space<hbm>> -> memref<12032x1024xf32, #tpu.memory_space<hbm>>
    tpu.enqueue_indirect_dma source(%dma_start3A_164 : memref<12032x1024xf32, #tpu.memory_space<hbm>>) target(%arg7 : memref<32x1024xf32, #tpu.memory_space<vmem>>) offsets(%dma_start3A_161 : memref<32xi32, #tpu.memory_space<vmem>>) semaphore(%arg10 : memref<!tpu.dma_semaphore, #tpu.memory_space<semaphore_mem>>)
    %dma_wait3A_165 = arith.constant 6 : i32
    %dma_wait3A_166 = arith.constant 0 : i32
    %dma_wait3A_167 = tpu.memref_slice %arg5[%dma_wait3A_165, %dma_wait3A_166] : memref<8x32xi32, #tpu.memory_space<vmem>> -> memref<1x32xi32, #tpu.memory_space<vmem>>
    %dma_wait3A_168 = tpu.memref_squeeze %dma_wait3A_167 : memref<1x32xi32, #tpu.memory_space<vmem>> -> memref<32xi32, #tpu.memory_space<vmem>>
    %dma_wait3A_169 = arith.constant 0 : i32
    %dma_wait3A_170 = arith.constant 0 : i32
    %dma_wait3A_171 = tpu.memref_slice %arg2[%dma_wait3A_169, %dma_wait3A_170] : memref<12032x1024xf32, #tpu.memory_space<hbm>> -> memref<12032x1024xf32, #tpu.memory_space<hbm>>
    tpu.wait_indirect_dma semaphore(%arg9 : memref<!tpu.dma_semaphore, #tpu.memory_space<semaphore_mem>>) src(%dma_wait3A_171 : memref<12032x1024xf32, #tpu.memory_space<hbm>>) dst(%arg6 : memref<32x1024xf32, #tpu.memory_space<vmem>>)
    %mul3A_172 = arith.constant 256 : i32
    %mul3A_173 = arith.muli %add3A, %mul3A_172 : i32
    %add3A_174 = arith.constant 192 : i32
    %add3A_175 = arith.addi %mul3A_173, %add3A_174 : i32
    %dma_start3A_176 = arith.constant 0 : i32
    %dma_start3A_177 = tpu.memref_slice %arg4[%add3A_175, %dma_start3A_176] : memref<8192x1024xf32, #tpu.memory_space<hbm>> -> memref<32x1024xf32, #tpu.memory_space<hbm>>
    %dma_start3A_178 = arith.constant 0 : i32
    %dma_start3A_179 = tpu.memref_slice %arg4[%add3A_175, %dma_start3A_178] : memref<8192x1024xf32, #tpu.memory_space<hbm>> -> memref<32x1024xf32, #tpu.memory_space<hbm>>
    tpu.enqueue_dma source(%arg6 : memref<32x1024xf32, #tpu.memory_space<vmem>>) target(%dma_start3A_179 : memref<32x1024xf32, #tpu.memory_space<hbm>>) target_semaphore(%arg12 : memref<!tpu.dma_semaphore, #tpu.memory_space<semaphore_mem>>)
    %dma_wait3A_180 = arith.constant 7 : i32
    %dma_wait3A_181 = arith.constant 0 : i32
    %dma_wait3A_182 = tpu.memref_slice %arg5[%dma_wait3A_180, %dma_wait3A_181] : memref<8x32xi32, #tpu.memory_space<vmem>> -> memref<1x32xi32, #tpu.memory_space<vmem>>
    %dma_wait3A_183 = tpu.memref_squeeze %dma_wait3A_182 : memref<1x32xi32, #tpu.memory_space<vmem>> -> memref<32xi32, #tpu.memory_space<vmem>>
    %dma_wait3A_184 = arith.constant 0 : i32
    %dma_wait3A_185 = arith.constant 0 : i32
    %dma_wait3A_186 = tpu.memref_slice %arg2[%dma_wait3A_184, %dma_wait3A_185] : memref<12032x1024xf32, #tpu.memory_space<hbm>> -> memref<12032x1024xf32, #tpu.memory_space<hbm>>
    tpu.wait_indirect_dma semaphore(%arg10 : memref<!tpu.dma_semaphore, #tpu.memory_space<semaphore_mem>>) src(%dma_wait3A_186 : memref<12032x1024xf32, #tpu.memory_space<hbm>>) dst(%arg7 : memref<32x1024xf32, #tpu.memory_space<vmem>>)
    %mul3A_187 = arith.constant 256 : i32
    %mul3A_188 = arith.muli %add3A, %mul3A_187 : i32
    %add3A_189 = arith.constant 224 : i32
    %add3A_190 = arith.addi %mul3A_188, %add3A_189 : i32
    %dma_start3A_191 = arith.constant 0 : i32
    %dma_start3A_192 = tpu.memref_slice %arg4[%add3A_190, %dma_start3A_191] : memref<8192x1024xf32, #tpu.memory_space<hbm>> -> memref<32x1024xf32, #tpu.memory_space<hbm>>
    %dma_start3A_193 = arith.constant 0 : i32
    %dma_start3A_194 = tpu.memref_slice %arg4[%add3A_190, %dma_start3A_193] : memref<8192x1024xf32, #tpu.memory_space<hbm>> -> memref<32x1024xf32, #tpu.memory_space<hbm>>
    tpu.enqueue_dma source(%arg7 : memref<32x1024xf32, #tpu.memory_space<vmem>>) target(%dma_start3A_194 : memref<32x1024xf32, #tpu.memory_space<hbm>>) target_semaphore(%arg13 : memref<!tpu.dma_semaphore, #tpu.memory_space<semaphore_mem>>)
    %dma_wait3A_195 = arith.constant 0 : i32
    %dma_wait3A_196 = tpu.memref_slice %arg4[%add3A_149, %dma_wait3A_195] : memref<8192x1024xf32, #tpu.memory_space<hbm>> -> memref<32x1024xf32, #tpu.memory_space<hbm>>
    %dma_wait3A_197 = arith.constant 0 : i32
    %dma_wait3A_198 = tpu.memref_slice %arg4[%add3A_149, %dma_wait3A_197] : memref<8192x1024xf32, #tpu.memory_space<hbm>> -> memref<32x1024xf32, #tpu.memory_space<hbm>>
    tpu.wait_dma2 semaphore(%arg14 : memref<!tpu.dma_semaphore, #tpu.memory_space<semaphore_mem>>) src(%arg8 : memref<32x1024xf32, #tpu.memory_space<vmem>>) dst(%dma_wait3A_198 : memref<32x1024xf32, #tpu.memory_space<hbm>>)
    %dma_wait3A_199 = arith.constant 0 : i32
    %dma_wait3A_200 = tpu.memref_slice %arg4[%add3A_175, %dma_wait3A_199] : memref<8192x1024xf32, #tpu.memory_space<hbm>> -> memref<32x1024xf32, #tpu.memory_space<hbm>>
    %dma_wait3A_201 = arith.constant 0 : i32
    %dma_wait3A_202 = tpu.memref_slice %arg4[%add3A_175, %dma_wait3A_201] : memref<8192x1024xf32, #tpu.memory_space<hbm>> -> memref<32x1024xf32, #tpu.memory_space<hbm>>
    tpu.wait_dma2 semaphore(%arg12 : memref<!tpu.dma_semaphore, #tpu.memory_space<semaphore_mem>>) src(%arg6 : memref<32x1024xf32, #tpu.memory_space<vmem>>) dst(%dma_wait3A_202 : memref<32x1024xf32, #tpu.memory_space<hbm>>)
    %dma_wait3A_203 = arith.constant 0 : i32
    %dma_wait3A_204 = tpu.memref_slice %arg4[%add3A_190, %dma_wait3A_203] : memref<8192x1024xf32, #tpu.memory_space<hbm>> -> memref<32x1024xf32, #tpu.memory_space<hbm>>
    %dma_wait3A_205 = arith.constant 0 : i32
    %dma_wait3A_206 = tpu.memref_slice %arg4[%add3A_190, %dma_wait3A_205] : memref<8192x1024xf32, #tpu.memory_space<hbm>> -> memref<32x1024xf32, #tpu.memory_space<hbm>>
    tpu.wait_dma2 semaphore(%arg13 : memref<!tpu.dma_semaphore, #tpu.memory_space<semaphore_mem>>) src(%arg7 : memref<32x1024xf32, #tpu.memory_space<vmem>>) dst(%dma_wait3A_206 : memref<32x1024xf32, #tpu.memory_space<hbm>>)
    return
  }
}

module attributes {stable_mosaic.version = 14 : i64} {
  func.func @_mm_body(%arg0: i32, %arg1: memref<47xi32, #tpu.memory_space<smem>>, %arg2: memref<256x1024xf32, #tpu.memory_space<vmem>>, %arg3: memref<1x1024x1024xf32, #tpu.memory_space<vmem>>, %arg4: memref<1x1x1024xf32, #tpu.memory_space<vmem>>, %arg5: memref<256x1024xf32, #tpu.memory_space<vmem>>) attributes {dimension_semantics = [#tpu.dimension_semantics<arbitrary>], iteration_bounds = array<i64: 47>, scalar_prefetch = 1 : i64, scratch_operands = 0 : i64, tpu.core_type = #tpu.core_type<tc>, window_params = [{transform_indices = @transform_0, window_bounds = array<i64: 256, 1024>}, {transform_indices = @transform_1, window_bounds = array<i64: 1, 1024, 1024>}, {transform_indices = @transform_2, window_bounds = array<i64: 1, 1, 1024>}, {transform_indices = @transform_3, window_bounds = array<i64: 256, 1024>}]} {
    %get3A = arith.constant 0 : index
    %get3A_0 = arith.constant 0 : index
    %get3A_1 = vector.load %arg2[%get3A, %get3A_0] : memref<256x1024xf32, #tpu.memory_space<vmem>>, vector<256x1024xf32>
    %get3A_2 = arith.constant 0 : index
    %get3A_3 = arith.constant 0 : index
    %get3A_4 = arith.constant 0 : index
    %get3A_5 = vector.load %arg3[%get3A_2, %get3A_3, %get3A_4] : memref<1x1024x1024xf32, #tpu.memory_space<vmem>>, vector<1x1024x1024xf32>
    %get3A_6 = vector.shape_cast %get3A_5 : vector<1x1024x1024xf32> to vector<1024x1024xf32>
    %dot_general3A = arith.constant dense<0.000000e+00> : vector<256x1024xf32>
    %dot_general3A_7 = tpu.matmul %get3A_1, %get3A_6, %dot_general3A {dimension_numbers = #tpu.dot_dimension_numbers<[1], [1], [0], [0], [0, 0, 1, 0], [], []>, transpose_lhs_hint = false} : vector<256x1024xf32>, vector<1024x1024xf32>, vector<256x1024xf32> -> vector<256x1024xf32>
    %get3A_8 = arith.constant 0 : index
    %get3A_9 = arith.constant 0 : index
    %get3A_10 = arith.constant 0 : index
    %get3A_11 = vector.load %arg4[%get3A_8, %get3A_9, %get3A_10] : memref<1x1x1024xf32, #tpu.memory_space<vmem>>, vector<1x1x1024xf32>
    %get3A_12 = vector.shape_cast %get3A_11 : vector<1x1x1024xf32> to vector<1x1024xf32>
    %add3A = vector.broadcast %get3A_12 : vector<1x1024xf32> to vector<256x1024xf32>
    %add3A_13 = arith.addf %dot_general3A_7, %add3A : vector<256x1024xf32>
    %swap3A = arith.constant 0 : index
    %swap3A_14 = arith.constant 0 : index
    %swap3A_15 = vector.load %arg5[%swap3A, %swap3A_14] : memref<256x1024xf32, #tpu.memory_space<vmem>>, vector<256x1024xf32>
    tpu.vector_store %arg5[%swap3A, %swap3A_14], %add3A_13 {strides = array<i32>} : memref<256x1024xf32, #tpu.memory_space<vmem>>, vector<256x1024xf32>,
    return
  }
  func.func @transform_0(%arg0: i32, %arg1: memref<47xi32, #tpu.memory_space<smem>>) -> (i32, i32) {
    %c0_i32 = arith.constant 0 : i32
    %c0_i32_0 = arith.constant 0 : i32
    return %arg0, %c0_i32 : i32, i32
  }
  func.func @transform_1(%arg0: i32, %arg1: memref<47xi32, #tpu.memory_space<smem>>) -> (i32, i32, i32) {
    %get3A = arith.index_cast %arg0 : i32 to index
    %get3A_0 = memref.load %arg1[%get3A] : memref<47xi32, #tpu.memory_space<smem>>
    %c0_i32 = arith.constant 0 : i32
    %c0_i32_1 = arith.constant 0 : i32
    %c0_i32_2 = arith.constant 0 : i32
    return %get3A_0, %c0_i32, %c0_i32_1 : i32, i32, i32
  }
  func.func @transform_2(%arg0: i32, %arg1: memref<47xi32, #tpu.memory_space<smem>>) -> (i32, i32, i32) {
    %get3A = arith.index_cast %arg0 : i32 to index
    %get3A_0 = memref.load %arg1[%get3A] : memref<47xi32, #tpu.memory_space<smem>>
    %c0_i32 = arith.constant 0 : i32
    %c0_i32_1 = arith.constant 0 : i32
    %c0_i32_2 = arith.constant 0 : i32
    return %get3A_0, %c0_i32, %c0_i32_1 : i32, i32, i32
  }
  func.func @transform_3(%arg0: i32, %arg1: memref<47xi32, #tpu.memory_space<smem>>) -> (i32, i32) {
    %c0_i32 = arith.constant 0 : i32
    %c0_i32_0 = arith.constant 0 : i32
    return %arg0, %c0_i32 : i32, i32
  }
}

</mosaic_0001>

<sc_bundles>
// kernel: kernel.5.cloned.1.call-start
scs
__scs_entry_jumppad:
0x0: {  	(pc) =	sbr.rel $0x88, $3  }
0x1: {  	(tag) =	ssettag $0x0;
	lr =	simm.s32 $0x1  }
0x2: {  	[smem:$0x3F9D] =	sst lr;
	_ =	strace $0xD0000000  }
0x3: {  	_ = 	snop  }
0x4: {  	_ = 	snop  }
0x5: {  	_ = 	snop  }
0x6: {  	_ = 	snop  }
0x7: {  	_ = 	snop  }
__scs_overlays_trampoline_lowered:
0x8: {  	[smem:$0x3FAC] =	sst s0  }
0x9: {  	[smem:$0x3FAD] =	sst s1  }
0xa: {  	[smem:$0x3FAE] =	sst s2  }
0xb: {  	[smem:$0x3FAF] =	sst s3  }
0xc: {  	[smem:$0x3FB0] =	sst s4  }
0xd: {  	[smem:$0x3FB1] =	sst s5  }
0xe: {  	[smem:$0x3FB2] =	sst s6  }
0xf: {  	[smem:$0x3FB3] =	sst s7  }
0x10: {  	[smem:$0x3FB4] =	sst s8  }
0x11: {  	[smem:$0x3FB5] =	sst s9;
	s0 =	simm.s32 @!p0 $0x0  }
0x12: {  	s1 =	sld [smem:$0x3F9B];
	s0 =	simm.s32 @p0 $0x1  }
0x13: {  	[smem:$0x3FB6] =	sst s0;
	s0 =	simm.s32 @!p1 $0x0  }
0x14: {  	s2 =	sld [smem:$0x3F9A];
	s0 =	simm.s32 @p1 $0x1  }
0x15: {  	[smem:$0x3FB7] =	sst s0;
	s0 =	simm.s32 @!p2 $0x0  }
0x16: {  	s3 =	sld [smem:$0x3FDB];
	s0 =	simm.s32 @p2 $0x1  }
0x17: {  	s4 =	simm.s32 $0x1BF5;
	[smem:$0x3FB9] =	sst s0  }
0x18: {  	s0 =	sld [smem:$0x3F9C];
	_ =	swait.ge [sflag:s4], $0x0  }
0x19: {  	s7 =	sld [smem:$0x3F9D]  }
0x1a: {  	s8 =	sadd.s32 $0xFFFFE003, lr  }
0x1b: {  	s9 =	sadd.s32 $0xFFFFFEF7, lr;
	s5 =	simm.s32 $0xFFFFFFFF;
	p2 =	slt.u32 s8, $0xFFFFF086  }
0x1c: {  	p1 =	slt.u32 s9, $0xF7A;
	s5 =	simm.s32 @!p2 $0x0  }
0x1d: {  	s5 =	simm.s32 @p1 $0x1;
	p0 =	seq.s32 s7, s2  }
0x1e: {  	s7 =	smul.u32 @!p0 $0xF7A, s2;
	p2 =	seq.s32 @!p0 s5, $0x0  }
0x1f: {  	s9 =	smul.u32 $0xF7A, s1;
	s8 =	simm.s32 @!p0 $0x1BF5;
	p2 =	por !p2, p0  }
0x20: {  	[sflag:s8] =	ssyncset.s32 @!p0 $0xFFFFF086;
	s6 =	sadd.s32 @!p0 s3, s7;
	s7 =	simm.s32 @!p0 $0x108  }
0x21: {  	s3 =	sadd.s32 s3, s9;
	s6 =	sadd.s32 @!p0 $0x88, s6;
	s7 =	simm.s32 @p2 $0x1082  }
0x22: {  	[simem:s7], [sflag:s8] =	dma.local @!p0 [hbm:s6], $0xF7A  }
0x23: {  	s9 =	sor.u32 $0xD0000000, s2;
	s6 =	simm.s32 $0x108;
	_ =	swait.ge @!p0 [sflag:s8], $0x0  }
0x24: {  	s3 =	sadd.s32 $0x88, s3;
	s6 =	simm.s32 @!p1 $0x1082;
	[sflag:s4] =	ssyncset.s32 $0xFFFFF086  }
0x25: {  	[simem:s6], [sflag:s4] =	dma.local [hbm:s3], $0xF7A  }
0x26: {  	[smem:$0x3F9D] =	sst s1;
	(tag) =	ssettag s2;
	_ =	strace s9  }
0x27: {  	s1 =	sld [smem:$0x3FAD]  }
0x28: {  	s2 =	sld [smem:$0x3FAE]  }
0x29: {  	s4 =	sld [smem:$0x3FB0]  }
0x2a: {  	p0 =	seq.s32 s5, $0x0;
	s5 =	sld [smem:$0x3FB1]  }
0x2b: {  	s6 =	sld [smem:$0x3FB2]  }
0x2c: {  	s7 =	sld [smem:$0x3FB3]  }
0x2d: {  	s3 =	simm.s32 $0x108;
	s8 =	sld [smem:$0x3FB4]  }
0x2e: {  	s3 =	simm.s32 @!p0 $0x1082;
	s9 =	sld [smem:$0x3FB5]  }
0x2f: {  	lr =	sadd.s32 s0, s3;
	s0 =	sld [smem:$0x3FAC]  }
0x30: {  	s3 =	sld [smem:$0x3FAF]  }
0x31: {  	[smem:$0x3FB8] =	sst s10  }
0x32: {  	s10 =	sld [smem:$0x3FB6];
	_ =	sdelay $0x3  }
0x33: {  	p0 =	seq.s32 s10, $0x1;
	s10 =	sld [smem:$0x3FB8];
	_ =	sdelay $0x3  }
0x34: {  	[smem:$0x3FB8] =	sst s10  }
0x35: {  	s10 =	sld [smem:$0x3FB7];
	_ =	sdelay $0x3  }
0x36: {  	p1 =	seq.s32 s10, $0x1;
	s10 =	sld [smem:$0x3FB8];
	_ =	sdelay $0x3  }
0x37: {  	[smem:$0x3FB8] =	sst s10  }
0x38: {  	s10 =	sld [smem:$0x3FB9]  }
0x39: {  	_ = 	snop;
	(pc) =	sbr.ind lr, $3  }
0x3a: {  	_ = 	snop  }
0x3b: {  	_ = 	snop  }
0x3c: {  	p2 =	seq.s32 s10, $0x1;
	s10 =	sld [smem:$0x3FB8]  }
0x3d: {  	_ =	shalt  }
0x3e: {  	_ =	shalt  }
0x3f: {  	_ =	shalt  }
0x40: {  	_ =	shalt  }
0x41: {  	_ =	shalt  }
0x42: {  	_ =	shalt  }
0x43: {  	_ =	shalt  }
0x44: {  	_ =	shalt  }
0x45: {  	_ =	shalt  }
0x46: {  	_ =	shalt  }
0x47: {  	_ =	shalt  }
0x48: {  	_ =	shalt  }
0x49: {  	_ =	shalt  }
0x4a: {  	_ =	shalt  }
0x4b: {  	_ =	shalt  }
0x4c: {  	_ =	shalt  }
0x4d: {  	_ =	shalt  }
0x4e: {  	_ =	shalt  }
0x4f: {  	_ =	shalt  }
0x50: {  	_ =	shalt  }
0x51: {  	_ =	shalt  }
0x52: {  	_ =	shalt  }
0x53: {  	_ =	shalt  }
0x54: {  	_ =	shalt  }
0x55: {  	_ =	shalt  }
0x56: {  	_ =	shalt  }
0x57: {  	_ =	shalt  }
0x58: {  	_ =	shalt  }
0x59: {  	_ =	shalt  }
0x5a: {  	_ =	shalt  }
0x5b: {  	_ =	shalt  }
0x5c: {  	_ =	shalt  }
0x5d: {  	_ =	shalt  }
0x5e: {  	_ =	shalt  }
0x5f: {  	_ =	shalt  }
0x60: {  	_ =	shalt  }
0x61: {  	_ =	shalt  }
0x62: {  	_ =	shalt  }
0x63: {  	_ =	shalt  }
0x64: {  	_ =	shalt  }
0x65: {  	_ =	shalt  }
0x66: {  	_ =	shalt  }
0x67: {  	_ =	shalt  }
0x68: {  	_ =	shalt  }
0x69: {  	_ =	shalt  }
0x6a: {  	_ =	shalt  }
0x6b: {  	_ =	shalt  }
0x6c: {  	_ =	shalt  }
0x6d: {  	_ =	shalt  }
0x6e: {  	_ =	shalt  }
0x6f: {  	_ =	shalt  }
0x70: {  	_ =	shalt  }
0x71: {  	_ =	shalt  }
0x72: {  	_ =	shalt  }
0x73: {  	_ =	shalt  }
0x74: {  	_ =	shalt  }
0x75: {  	_ =	shalt  }
0x76: {  	_ =	shalt  }
0x77: {  	_ =	shalt  }
0x78: {  	_ =	shalt  }
0x79: {  	_ =	shalt  }
0x7a: {  	_ =	shalt  }
0x7b: {  	_ =	shalt  }
0x7c: {  	_ =	shalt  }
0x7d: {  	_ =	shalt  }
0x7e: {  	_ =	shalt  }
0x7f: {  	_ =	shalt  }
0x80: {  	_ =	shalt  }
0x81: {  	_ =	shalt  }
0x82: {  	_ =	shalt  }
0x83: {  	_ =	shalt  }
0x84: {  	_ =	shalt  }
0x85: {  	_ =	shalt  }
0x86: {  	_ =	shalt  }
0x87: {  	_ =	shalt  }
.Lfunc_end0:
.L_simem_size_0:
called_computation_lowered:
.L_overlay_start_0:
0x88: {  	s2 =	sld [smem:$0x3FD9]  }
0x89: {  	s3 =	sld [smem:$0x3FFE];
	_ =	sdelay $0x1  }
0x8a: {  	s1 =	srdreg.scid  }
0x8b: {  	s0 =	sand.u32 $0x1, s1  }
0x8c: {  	s17 =	sshll.u32 s0, $0xA;
	s2 =	sadd.s32 s3, s2  }
0x8d: {  	s2 =	sadd.s32 s2, s17  }
0x8e: {  	[smem:$0x3FC4] =	sst s2  }
0x8f: {  	_ = 	snop  }
0x90: {  	s2 =	sld [smem:$0x3FC9];
	(tm) =	ssettm $0x1  }
0x91: {  	s18 =	sld [smem:$0x3FFB];
	_ =	sdelay $0x3  }
0x92: {  	_ =	strace s18  }
0x93: {  	s3 =	sld [smem:$0x3FFC];
	_ =	sdelay $0x3  }
0x94: {  	_ =	strace s3  }
0x95: {  	s3 =	sld [smem:$0x3FFD];
	_ =	sdelay $0x3  }
0x96: {  	_ =	strace s3  }
0x97: {  	_ =	strace $0x8FFFFFFF  }
0x98: {  	s19 =	sld [smem:$0x3FDB];
	_ =	sdelay $0x1  }
0x99: {  	s4 =	simm.s32 $_scs_section_size  }
0x9a: {  	s5 =	simm.s32 $_size__tile_overlayer_lowered;
	s6 =	simm.s32 $_tile_overlayer_lowered  }
0x9b: {  	s22 =	simm.s32 $0x1BFF;
	s21 =	sshll.u32 s6, $0x1;
	s3 =	sadd.s32 s4, s19  }
0x9c: {  	s7 =	simm.s32 $0x0;
	s20 =	sshll.u32 s5, $0x1;
	s5 =	sadd.s32 s21, s3  }
0x9d: {  	[timem:s7], [sflag:s22] =	dma.local [hbm:s5], s20  }
0x9e: {  	_ =	swait.ge [sflag:s22], s20  }
0x9f: {  	s4 =	ssub.s32 $0x0, s20;
	[sflag:s22] =	ssyncset.done $0x0  }
0xa0: {  	[sflag:s22] =	ssyncadd.s32 s4;
	_ =	sdelay $0x1  }
0xa1: {  	s23 =	simm.s32 $0x1B8B  }
0xa2: {  	_ =	swait.ge [sflag:s23], $0x1  }
0xa3: {  	[sflag:s23] =	ssyncset.done $0x0  }
0xa4: {  	s25 =	simm.s32 $0x1B8E;
	s24 =	sld [smem:$0x3FFE];
	[sflag:s23] =	ssyncadd.s32 $0xFFFFFFFF  }
0xa5: {  	s26 =	simm.s32 $execute0_lowered;
	[smem:$0x3FD2] =	sst s25  }
0xa6: {  	s5 =	sshll.u32 s26, $0x1;
	_ =	strace $0x80000046;
	[dreg:$0x1] =	wrdreg $0xFFFFFFFF  }
0xa7: {  	s28 =	simm.s32 $_size_execute0_lowered;
	s3 =	sadd.s32 s3, s5;
	[dreg:$0x0] =	wrdreg $0x0  }
0xa8: {  	s5 =	sshll.u32 s28, $0x1;
	[dreg:$0x2] =	wrdreg s3  }
0xa9: {  	[dreg:$0x3] =	wrdreg s5  }
0xaa: {  	[dreg:$0x4] =	wrdreg $0xC0  }
0xab: {  	_ =	task [dreg:s7], $0x5FFFF  }
0xac: {  	[dreg:$0x1] =	wrdreg $0xFFFFFFFF  }
0xad: {  	[dreg:$0x0] =	wrdreg $0x60  }
0xae: {  	[dreg:$0x2] =	wrdreg s2  }
0xaf: {  	[dreg:$0x3] =	wrdreg s24  }
0xb0: {  	[dreg:$0x4] =	wrdreg $0x9  }
0xb1: {  	_ =	task.clear_ibuf [dreg:s7], $0x5FFFF;
	_ =	strace $0x90000046  }
0xb2: {  	s29 =	simm.s32 $0x9;
	_ =	strace $0x80000048  }
0xb3: {  	_ =	swait.ge [sflag:s29], $0x1  }
0xb4: {  	[sflag:s29] =	ssyncadd.s32 $0xFFFFFFFF  }
0xb5: {  	_ =	strace $0x90000048  }
0xb6: {  	_ =	sfence  }
0xb7: {  	s30 =	sld [smem:$0x0];
	_ =	sdelay $0x2  }
0xb8: {  	s31 =	sshll.u32 s1, $0xD;
	s1 =	sshrl.u32 s1, $0x2  }
0xb9: {  	s3 =	sand.u32 $0x4000, s31;
	s1 =	sadd.s32 s1, s30  }
0xba: {  	s0 =	sor.u32 s3, s0;
	s1 =	sshll.u32 s1, $0x11  }
0xbb: {  	s0 =	sor.u32 s1, s0  }
0xbc: {  	s0 =	sadd.s32 $0x8F2B, s0  }
0xbd: {  	[sflag:s0] =	ssyncadd.remote.s32 $0x1  }
0xbe: {  	_ =	sfence.sel $0xFFFF  }
0xbf: {  	[dreg:$0x0] =	wrdreg $0xFFFFFFFF;
	(pc) =	sbr.abs _section_cstart, $3  }
0xc0: {  	[dreg:$0x1] =	wrdreg $0xFFFFFFFF  }
0xc1: {  	_ =	task.clear_ibuf [dreg:s7], $0x2FFFF;
	_ =	strace $0x9FFFFFFF  }
0xc2: {  	(tm) =	ssettm $0x7FFFFFFF  }
0xc3: {  	_ =	shalt  }
tec
execute0_lowered:
.L_overlay_start_1:
0x0: {  	(tag) =	ssettag $0x1  }
0x1: {  	s0 =	rddreg [dreg:$0x0];
	s1 =	srdreg.scid  }
0x2: {  	s2 =	stileid.u32;
	s3 =	rddreg [dreg:$0x1];
	s30 =	simm.s32 $0x2  }
0x3: {  	s11 =	simm.s32 $0x400;
	s21 =	simm.s32 $0x16400;
	s29 =	simm.s32 $0x17C00  }
0x4: {  	s13 =	simm.s32 $0xA400;
	s14 =	simm.s32 $0xAC00;
	s15 =	simm.s32 $0xB400  }
0x5: {  	s19 =	simm.s32 $0xEC00;
	s1 =	sand.u32 $0x1, s1;
	s4 =	sshll.u32 s2, $0x1  }
0x6: {  	s20 =	simm.s32 $0xF400;
	s2 =	simm.s32 $0x0;
	s4 =	sor.u32 s1, s4  }
0x7: {  	s6 =	sadd.s32 $0x1200, s3;
	s7 =	sadd.s32 $0x1300, s3;
	s5 =	sshll.u32 s4, $0x7  }
0x8: {  	[smem:$0x7FF] =	sst s2;
	s4 =	sshll.u32 s4, $0xF;
	s5 =	sadd.s32 s3, s5  }
0x9: {  	_ =	strace $0x80000047;
	s8 =	sadd.s32 s0, s4;
	[dreg:$0x3] =	wrdreg s5  }
0xa: {  	s1 =	ssub.s32 $0x2, s1;
	s0 =	sadd.s32 $0x1000, s8;
	[dreg:$0xb] =	wrdreg s8  }
0xb: {  	s23 =	sshrl.u32 s1, $0x1;
	s22 =	sadd.s32 $0x2000, s8;
	[dreg:$0x4] =	wrdreg s0  }
0xc: {  	s4 =	sadd.s32 $0x1000, s3;
	s24 =	sadd.s32 $0x3000, s8;
	[dreg:$0x5] =	wrdreg s22  }
0xd: {  	s1 =	ssub.s32 s1, s23;
	s25 =	sadd.s32 $0x4000, s8;
	[dreg:$0x6] =	wrdreg s24  }
0xe: {  	s23 =	simm.s32 $0x4;
	s26 =	sadd.s32 $0x5000, s8;
	[dreg:$0x7] =	wrdreg s25  }
0xf: {  	s5 =	sadd.s32 $0x1100, s3;
	s28 =	sadd.s32 $0x6000, s8;
	[dreg:$0x8] =	wrdreg s26  }
0x10: {  	v2 =	vlaneseq.u32;
	s31 =	sadd.s32 $0x7000, s8;
	s8 =	smax.u32 s1, $0x1;
	[dreg:$0x9] =	wrdreg s28  }
0x11: {  	vm0 =	vmmov $0xffff;
	v1 =	vshrl.u32 v2, $0x3;
	s1 =	simm.s32 $0x1;
	[dreg:$0xa] =	wrdreg s31;
	s25 =	simm.s32 $0x5  }
0x12: {  	v0 =	vand.u32 $0x7, v2;
	v2 =	vor.u32 $0x8, v2;
	v1 =	vmul.u32 $0x8, v1;
	s26 =	simm.s32 $0x3;
	s22 =	simm.s32 $0x16C00;
	s24 =	simm.s32 $0x17400  }
.LBB2_1:
0x13: {  	s28 =	rddreg [dreg:$0x3];
	s17 =	simm.s32 $0x7  }
0x14: {  	[tilespmem:s2], [sflag:$0x7] =	stream.linear.gather [hbm4b:s28+s2], $0x400, $0x38;
	[tilespmem:$0x18400] =	vst v63  }
0x15: {  	_ =	swait.ge [sflag:s17], $0x400  }
0x16: {  	[sflag:s17] =	ssyncset.done $0x0  }
0x17: {  	s31 =	rddreg [dreg:$0xb];
	[sflag:s17] =	ssyncadd.s32 $0xFFFFFC00  }
0x18: {  	[tilespmem:s11], [sflag:$0x1] =	stream.linear.gather [hbm4b:s31+s2], $0x8000, $0x38;
	[tilespmem:$0x18400] =	vst v63  }
0x19: {  	s0 =	simm.s32 $0x8400;
	s18 =	rddreg [dreg:$0x4]  }
0x1a: {  	[tilespmem:s0], [sflag:$0x2] =	stream.linear.gather [hbm4b:s18+s2], $0x8000, $0x38;
	[tilespmem:$0x18400] =	vst v63  }
0x1b: {  	_ =	swait.ge [sflag:s1], $0x8000  }
0x1c: {  	[sflag:s1] =	ssyncset.done $0x0  }
0x1d: {  	[sflag:s1] =	ssyncadd.s32 $0xFFFF8000  }
0x1e: {  	v3 =	vld [tilespmem:$0x0];
	_ =	sdelay $0x4  }
0x1f: {  	v4 =	vshll.u32 v3, $0x3  }
0x20: {  	v3 =	vand.u32 $0x7, v3;
	v4 =	vand.u32 $0xFFFFFFC0, v4  }
0x21: {  	v3 =	vor.u32 v3, v4  }
0x22: {  	v4 =	vperm.xlane v3, v0;
	_ =	sdelay $0x1  }
0x23: {  	v4 =	vadd.s32 v1, v4;
	_ =	sdelay $0x4  }
0x24: {  	[hbm4b:s4+s2] =	stream.indirect_vreg.scatter [tilespmem:s11], [sflag:$0x4], $0x80, v4, vm0, $0xb8;
	[tilespmem:$0x18400] =	vst v63  }
0x25: {  	s3 =	simm.s32 $0xC00;
	v3 =	vperm.xlane v3, v2  }
0x26: {  	[hbm4b:s5+s2] =	stream.indirect_vreg.scatter [tilespmem:s3], [sflag:$0x4], $0x80, v4, vm0, $0xb8;
	[tilespmem:$0x18400] =	vst v63  }
0x27: {  	s28 =	simm.s32 $0x1400;
	v3 =	vadd.s32 v1, v3  }
0x28: {  	[hbm4b:s6+s2] =	stream.indirect_vreg.scatter [tilespmem:s28], [sflag:$0x4], $0x80, v4, vm0, $0xb8;
	[tilespmem:$0x18400] =	vst v63  }
0x29: {  	s31 =	simm.s32 $0x1C00  }
0x2a: {  	[hbm4b:s7+s2] =	stream.indirect_vreg.scatter [tilespmem:s31], [sflag:$0x4], $0x80, v4, vm0, $0xb8;
	[tilespmem:$0x18400] =	vst v63  }
0x2b: {  	s9 =	simm.s32 $0x2400  }
0x2c: {  	[hbm4b:s4+s2] =	stream.indirect_vreg.scatter [tilespmem:s9], [sflag:$0x4], $0x80, v3, vm0, $0xb8;
	[tilespmem:$0x18400] =	vst v63  }
0x2d: {  	s10 =	simm.s32 $0x2C00  }
0x2e: {  	[hbm4b:s5+s2] =	stream.indirect_vreg.scatter [tilespmem:s10], [sflag:$0x4], $0x80, v3, vm0, $0xb8;
	[tilespmem:$0x18400] =	vst v63  }
0x2f: {  	s16 =	simm.s32 $0x3400  }
0x30: {  	[hbm4b:s6+s2] =	stream.indirect_vreg.scatter [tilespmem:s16], [sflag:$0x4], $0x80, v3, vm0, $0xb8;
	[tilespmem:$0x18400] =	vst v63  }
0x31: {  	s17 =	simm.s32 $0x3C00  }
0x32: {  	[hbm4b:s7+s2] =	stream.indirect_vreg.scatter [tilespmem:s17], [sflag:$0x4], $0x80, v3, vm0, $0xb8;
	[tilespmem:$0x18400] =	vst v63  }
0x33: {  	v3 =	vld [tilespmem:$0x10];
	_ =	sdelay $0x4  }
0x34: {  	v49 =	vshll.u32 v3, $0x3  }
0x35: {  	v3 =	vand.u32 $0x7, v3;
	v4 =	vand.u32 $0xFFFFFFC0, v49  }
0x36: {  	v3 =	vor.u32 v3, v4  }
0x37: {  	v4 =	vperm.xlane v3, v0;
	_ =	sdelay $0x1  }
0x38: {  	v4 =	vadd.s32 v1, v4;
	_ =	sdelay $0x3  }
0x39: {  	s18 =	simm.s32 $0x4400  }
0x3a: {  	[hbm4b:s4+s2] =	stream.indirect_vreg.scatter [tilespmem:s18], [sflag:$0x4], $0x80, v4, vm0, $0xb8;
	[tilespmem:$0x18400] =	vst v63  }
0x3b: {  	s28 =	simm.s32 $0x4C00;
	v3 =	vperm.xlane v3, v2  }
0x3c: {  	[hbm4b:s5+s2] =	stream.indirect_vreg.scatter [tilespmem:s28], [sflag:$0x4], $0x80, v4, vm0, $0xb8;
	[tilespmem:$0x18400] =	vst v63  }
0x3d: {  	s31 =	simm.s32 $0x5400;
	v3 =	vadd.s32 v1, v3  }
0x3e: {  	[hbm4b:s6+s2] =	stream.indirect_vreg.scatter [tilespmem:s31], [sflag:$0x4], $0x80, v4, vm0, $0xb8;
	[tilespmem:$0x18400] =	vst v63  }
0x3f: {  	s9 =	simm.s32 $0x5C00  }
0x40: {  	[hbm4b:s7+s2] =	stream.indirect_vreg.scatter [tilespmem:s9], [sflag:$0x4], $0x80, v4, vm0, $0xb8;
	[tilespmem:$0x18400] =	vst v63  }
0x41: {  	s10 =	simm.s32 $0x6400  }
0x42: {  	[hbm4b:s4+s2] =	stream.indirect_vreg.scatter [tilespmem:s10], [sflag:$0x4], $0x80, v3, vm0, $0xb8;
	[tilespmem:$0x18400] =	vst v63  }
0x43: {  	s16 =	simm.s32 $0x6C00  }
0x44: {  	[hbm4b:s5+s2] =	stream.indirect_vreg.scatter [tilespmem:s16], [sflag:$0x4], $0x80, v3, vm0, $0xb8;
	[tilespmem:$0x18400] =	vst v63  }
0x45: {  	s17 =	simm.s32 $0x7400  }
0x46: {  	[hbm4b:s6+s2] =	stream.indirect_vreg.scatter [tilespmem:s17], [sflag:$0x4], $0x80, v3, vm0, $0xb8;
	[tilespmem:$0x18400] =	vst v63  }
0x47: {  	s31 =	simm.s32 $0x7C00  }
0x48: {  	[hbm4b:s7+s2] =	stream.indirect_vreg.scatter [tilespmem:s31], [sflag:$0x4], $0x80, v3, vm0, $0xb8;
	[tilespmem:$0x18400] =	vst v63  }
0x49: {  	s18 =	rddreg [dreg:$0x5];
	s10 =	simm.s32 $0x10400  }
0x4a: {  	[tilespmem:s10], [sflag:$0x3] =	stream.linear.gather [hbm4b:s18+s2], $0x8000, $0x38;
	[tilespmem:$0x18400] =	vst v63  }
0x4b: {  	_ =	swait.ge [sflag:s30], $0x8000  }
0x4c: {  	[sflag:s30] =	ssyncset.done $0x0  }
0x4d: {  	[sflag:s30] =	ssyncadd.s32 $0xFFFF8000  }
0x4e: {  	v3 =	vld [tilespmem:$0x80];
	_ =	sdelay $0x4  }
0x4f: {  	v50 =	vshll.u32 v3, $0x3  }
0x50: {  	v3 =	vand.u32 $0x7, v3;
	v4 =	vand.u32 $0xFFFFFFC0, v50  }
0x51: {  	v3 =	vor.u32 v3, v4  }
0x52: {  	v4 =	vperm.xlane v3, v0;
	_ =	sdelay $0x1  }
0x53: {  	v4 =	vadd.s32 v1, v4;
	_ =	sdelay $0x4  }
0x54: {  	[hbm4b:s4+s2] =	stream.indirect_vreg.scatter [tilespmem:s0], [sflag:$0x5], $0x80, v4, vm0, $0xb8;
	[tilespmem:$0x18400] =	vst v63  }
0x55: {  	s9 =	simm.s32 $0x8C00;
	v3 =	vperm.xlane v3, v2  }
0x56: {  	[hbm4b:s5+s2] =	stream.indirect_vreg.scatter [tilespmem:s9], [sflag:$0x5], $0x80, v4, vm0, $0xb8;
	[tilespmem:$0x18400] =	vst v63  }
0x57: {  	s16 =	simm.s32 $0x9400;
	v3 =	vadd.s32 v1, v3  }
0x58: {  	[hbm4b:s6+s2] =	stream.indirect_vreg.scatter [tilespmem:s16], [sflag:$0x5], $0x80, v4, vm0, $0xb8;
	[tilespmem:$0x18400] =	vst v63  }
0x59: {  	s17 =	simm.s32 $0x9C00  }
0x5a: {  	[hbm4b:s7+s2] =	stream.indirect_vreg.scatter [tilespmem:s17], [sflag:$0x5], $0x80, v4, vm0, $0xb8;
	[tilespmem:$0x18400] =	vst v63  }
0x5b: {  	s18 =	simm.s32 $0xA400  }
0x5c: {  	[hbm4b:s4+s2] =	stream.indirect_vreg.scatter [tilespmem:s18], [sflag:$0x5], $0x80, v3, vm0, $0xb8;
	[tilespmem:$0x18400] =	vst v63  }
0x5d: {  	s28 =	simm.s32 $0xAC00  }
0x5e: {  	[hbm4b:s5+s2] =	stream.indirect_vreg.scatter [tilespmem:s28], [sflag:$0x5], $0x80, v3, vm0, $0xb8;
	[tilespmem:$0x18400] =	vst v63  }
0x5f: {  	s31 =	simm.s32 $0xB400  }
0x60: {  	[hbm4b:s6+s2] =	stream.indirect_vreg.scatter [tilespmem:s31], [sflag:$0x5], $0x80, v3, vm0, $0xb8;
	[tilespmem:$0x18400] =	vst v63  }
0x61: {  	s16 =	simm.s32 $0xBC00  }
0x62: {  	[hbm4b:s7+s2] =	stream.indirect_vreg.scatter [tilespmem:s16], [sflag:$0x5], $0x80, v3, vm0, $0xb8;
	[tilespmem:$0x18400] =	vst v63  }
0x63: {  	v3 =	vld [tilespmem:$0x90];
	_ =	sdelay $0x4  }
0x64: {  	v51 =	vshll.u32 v3, $0x3  }
0x65: {  	v3 =	vand.u32 $0x7, v3;
	v4 =	vand.u32 $0xFFFFFFC0, v51  }
0x66: {  	v3 =	vor.u32 v3, v4  }
0x67: {  	v4 =	vperm.xlane v3, v0;
	_ =	sdelay $0x1  }
0x68: {  	v4 =	vadd.s32 v1, v4;
	_ =	sdelay $0x3  }
0x69: {  	s17 =	simm.s32 $0xC400  }
0x6a: {  	[hbm4b:s4+s2] =	stream.indirect_vreg.scatter [tilespmem:s17], [sflag:$0x5], $0x80, v4, vm0, $0xb8;
	[tilespmem:$0x18400] =	vst v63  }
0x6b: {  	s18 =	simm.s32 $0xCC00;
	v3 =	vperm.xlane v3, v2  }
0x6c: {  	[hbm4b:s5+s2] =	stream.indirect_vreg.scatter [tilespmem:s18], [sflag:$0x5], $0x80, v4, vm0, $0xb8;
	[tilespmem:$0x18400] =	vst v63  }
0x6d: {  	s28 =	simm.s32 $0xD400;
	v3 =	vadd.s32 v1, v3  }
0x6e: {  	[hbm4b:s6+s2] =	stream.indirect_vreg.scatter [tilespmem:s28], [sflag:$0x5], $0x80, v4, vm0, $0xb8;
	[tilespmem:$0x18400] =	vst v63  }
0x6f: {  	s31 =	simm.s32 $0xDC00  }
0x70: {  	[hbm4b:s7+s2] =	stream.indirect_vreg.scatter [tilespmem:s31], [sflag:$0x5], $0x80, v4, vm0, $0xb8;
	[tilespmem:$0x18400] =	vst v63  }
0x71: {  	s28 =	simm.s32 $0xE400  }
0x72: {  	[hbm4b:s4+s2] =	stream.indirect_vreg.scatter [tilespmem:s28], [sflag:$0x5], $0x80, v3, vm0, $0xb8;
	[tilespmem:$0x18400] =	vst v63  }
0x73: {  	s31 =	simm.s32 $0xEC00  }
0x74: {  	[hbm4b:s5+s2] =	stream.indirect_vreg.scatter [tilespmem:s31], [sflag:$0x5], $0x80, v3, vm0, $0xb8;
	[tilespmem:$0x18400] =	vst v63  }
0x75: {  	s28 =	simm.s32 $0xF400  }
0x76: {  	[hbm4b:s6+s2] =	stream.indirect_vreg.scatter [tilespmem:s28], [sflag:$0x5], $0x80, v3, vm0, $0xb8;
	[tilespmem:$0x18400] =	vst v63  }
0x77: {  	s31 =	simm.s32 $0xFC00  }
0x78: {  	[hbm4b:s7+s2] =	stream.indirect_vreg.scatter [tilespmem:s31], [sflag:$0x5], $0x80, v3, vm0, $0xb8;
	[tilespmem:$0x18400] =	vst v63  }
0x79: {  	_ =	swait.ge [sflag:s23], $0x8000  }
0x7a: {  	[sflag:s23] =	ssyncset.done $0x0  }
0x7b: {  	s3 =	rddreg [dreg:$0x6];
	[sflag:s23] =	ssyncadd.s32 $0xFFFF8000  }
0x7c: {  	[tilespmem:s11], [sflag:$0x1] =	stream.linear.gather [hbm4b:s3+s2], $0x8000, $0x38;
	[tilespmem:$0x18400] =	vst v63  }
0x7d: {  	_ =	swait.ge [sflag:s26], $0x8000  }
0x7e: {  	[sflag:s26] =	ssyncset.done $0x0  }
0x7f: {  	[sflag:s26] =	ssyncadd.s32 $0xFFFF8000  }
0x80: {  	v3 =	vld [tilespmem:$0x100];
	_ =	sdelay $0x4  }
0x81: {  	v52 =	vshll.u32 v3, $0x3  }
0x82: {  	v3 =	vand.u32 $0x7, v3;
	v4 =	vand.u32 $0xFFFFFFC0, v52  }
0x83: {  	v3 =	vor.u32 v3, v4  }
0x84: {  	v4 =	vperm.xlane v3, v0;
	_ =	sdelay $0x1  }
0x85: {  	v4 =	vadd.s32 v1, v4;
	_ =	sdelay $0x4  }
0x86: {  	[hbm4b:s4+s2] =	stream.indirect_vreg.scatter [tilespmem:s10], [sflag:$0x6], $0x80, v4, vm0, $0xb8;
	[tilespmem:$0x18400] =	vst v63  }
0x87: {  	s31 =	simm.s32 $0x10C00;
	v3 =	vperm.xlane v3, v2  }
0x88: {  	[hbm4b:s5+s2] =	stream.indirect_vreg.scatter [tilespmem:s31], [sflag:$0x6], $0x80, v4, vm0, $0xb8;
	[tilespmem:$0x18400] =	vst v63  }
0x89: {  	s28 =	simm.s32 $0x11400;
	v3 =	vadd.s32 v1, v3  }
0x8a: {  	[hbm4b:s6+s2] =	stream.indirect_vreg.scatter [tilespmem:s28], [sflag:$0x6], $0x80, v4, vm0, $0xb8;
	[tilespmem:$0x18400] =	vst v63  }
0x8b: {  	s28 =	simm.s32 $0x11C00  }
0x8c: {  	[hbm4b:s7+s2] =	stream.indirect_vreg.scatter [tilespmem:s28], [sflag:$0x6], $0x80, v4, vm0, $0xb8;
	[tilespmem:$0x18400] =	vst v63  }
0x8d: {  	s28 =	simm.s32 $0x12400  }
0x8e: {  	[hbm4b:s4+s2] =	stream.indirect_vreg.scatter [tilespmem:s28], [sflag:$0x6], $0x80, v3, vm0, $0xb8;
	[tilespmem:$0x18400] =	vst v63  }
0x8f: {  	s28 =	simm.s32 $0x12C00  }
0x90: {  	[hbm4b:s5+s2] =	stream.indirect_vreg.scatter [tilespmem:s28], [sflag:$0x6], $0x80, v3, vm0, $0xb8;
	[tilespmem:$0x18400] =	vst v63  }
0x91: {  	s28 =	simm.s32 $0x13400  }
0x92: {  	[hbm4b:s6+s2] =	stream.indirect_vreg.scatter [tilespmem:s28], [sflag:$0x6], $0x80, v3, vm0, $0xb8;
	[tilespmem:$0x18400] =	vst v63  }
0x93: {  	s28 =	simm.s32 $0x13C00  }
0x94: {  	[hbm4b:s7+s2] =	stream.indirect_vreg.scatter [tilespmem:s28], [sflag:$0x6], $0x80, v3, vm0, $0xb8;
	[tilespmem:$0x18400] =	vst v63  }
0x95: {  	v3 =	vld [tilespmem:$0x110];
	_ =	sdelay $0x4  }
0x96: {  	v53 =	vshll.u32 v3, $0x3  }
0x97: {  	v3 =	vand.u32 $0x7, v3;
	v4 =	vand.u32 $0xFFFFFFC0, v53  }
0x98: {  	v3 =	vor.u32 v3, v4  }
0x99: {  	v4 =	vperm.xlane v3, v0;
	_ =	sdelay $0x1  }
0x9a: {  	v4 =	vadd.s32 v1, v4;
	_ =	sdelay $0x3  }
0x9b: {  	s28 =	simm.s32 $0x14400  }
0x9c: {  	[hbm4b:s4+s2] =	stream.indirect_vreg.scatter [tilespmem:s28], [sflag:$0x6], $0x80, v4, vm0, $0xb8;
	[tilespmem:$0x18400] =	vst v63  }
0x9d: {  	v3 =	vperm.xlane v3, v2;
	s28 =	simm.s32 $0x14C00  }
0x9e: {  	[hbm4b:s5+s2] =	stream.indirect_vreg.scatter [tilespmem:s28], [sflag:$0x6], $0x80, v4, vm0, $0xb8;
	[tilespmem:$0x18400] =	vst v63  }
0x9f: {  	v3 =	vadd.s32 v1, v3;
	s28 =	simm.s32 $0x15400  }
0xa0: {  	[hbm4b:s6+s2] =	stream.indirect_vreg.scatter [tilespmem:s28], [sflag:$0x6], $0x80, v4, vm0, $0xb8;
	[tilespmem:$0x18400] =	vst v63  }
0xa1: {  	s28 =	simm.s32 $0x15C00  }
0xa2: {  	[hbm4b:s7+s2] =	stream.indirect_vreg.scatter [tilespmem:s28], [sflag:$0x6], $0x80, v4, vm0, $0xb8;
	[tilespmem:$0x18400] =	vst v63  }
0xa3: {  	_ = 	snop  }
0xa4: {  	[hbm4b:s4+s2] =	stream.indirect_vreg.scatter [tilespmem:s21], [sflag:$0x6], $0x80, v3, vm0, $0xb8;
	[tilespmem:$0x18400] =	vst v63  }
0xa5: {  	_ = 	snop  }
0xa6: {  	[hbm4b:s5+s2] =	stream.indirect_vreg.scatter [tilespmem:s22], [sflag:$0x6], $0x80, v3, vm0, $0xb8;
	[tilespmem:$0x18400] =	vst v63  }
0xa7: {  	_ = 	snop  }
0xa8: {  	[hbm4b:s6+s2] =	stream.indirect_vreg.scatter [tilespmem:s24], [sflag:$0x6], $0x80, v3, vm0, $0xb8;
	[tilespmem:$0x18400] =	vst v63  }
0xa9: {  	_ = 	snop  }
0xaa: {  	[hbm4b:s7+s2] =	stream.indirect_vreg.scatter [tilespmem:s29], [sflag:$0x6], $0x80, v3, vm0, $0xb8;
	[tilespmem:$0x18400] =	vst v63  }
0xab: {  	_ =	swait.ge [sflag:s25], $0x8000  }
0xac: {  	[sflag:s25] =	ssyncset.done $0x0  }
0xad: {  	s3 =	rddreg [dreg:$0x7];
	[sflag:s25] =	ssyncadd.s32 $0xFFFF8000  }
0xae: {  	[tilespmem:s0], [sflag:$0x2] =	stream.linear.gather [hbm4b:s3+s2], $0x8000, $0x38;
	[tilespmem:$0x18400] =	vst v63  }
0xaf: {  	_ =	swait.ge [sflag:s1], $0x8000  }
0xb0: {  	[sflag:s1] =	ssyncset.done $0x0  }
0xb1: {  	[sflag:s1] =	ssyncadd.s32 $0xFFFF8000  }
0xb2: {  	v3 =	vld [tilespmem:$0x180];
	_ =	sdelay $0x4  }
0xb3: {  	v54 =	vshll.u32 v3, $0x3  }
0xb4: {  	v3 =	vand.u32 $0x7, v3;
	v4 =	vand.u32 $0xFFFFFFC0, v54  }
0xb5: {  	v3 =	vor.u32 v3, v4  }
0xb6: {  	v4 =	vperm.xlane v3, v0;
	_ =	sdelay $0x1  }
0xb7: {  	v4 =	vadd.s32 v1, v4;
	_ =	sdelay $0x4  }
0xb8: {  	[hbm4b:s4+s2] =	stream.indirect_vreg.scatter [tilespmem:s11], [sflag:$0x4], $0x80, v4, vm0, $0xb8;
	[tilespmem:$0x18400] =	vst v63  }
0xb9: {  	s12 =	simm.s32 $0xC00;
	v3 =	vperm.xlane v3, v2  }
0xba: {  	[hbm4b:s5+s2] =	stream.indirect_vreg.scatter [tilespmem:s12], [sflag:$0x4], $0x80, v4, vm0, $0xb8;
	[tilespmem:$0x18400] =	vst v63  }
0xbb: {  	s3 =	simm.s32 $0x1400;
	v3 =	vadd.s32 v1, v3  }
0xbc: {  	[hbm4b:s6+s2] =	stream.indirect_vreg.scatter [tilespmem:s3], [sflag:$0x4], $0x80, v4, vm0, $0xb8;
	[tilespmem:$0x18400] =	vst v63  }
0xbd: {  	s28 =	simm.s32 $0x1C00  }
0xbe: {  	[hbm4b:s7+s2] =	stream.indirect_vreg.scatter [tilespmem:s28], [sflag:$0x4], $0x80, v4, vm0, $0xb8;
	[tilespmem:$0x18400] =	vst v63  }
0xbf: {  	s3 =	simm.s32 $0x2400  }
0xc0: {  	[hbm4b:s4+s2] =	stream.indirect_vreg.scatter [tilespmem:s3], [sflag:$0x4], $0x80, v3, vm0, $0xb8;
	[tilespmem:$0x18400] =	vst v63  }
0xc1: {  	s28 =	simm.s32 $0x2C00  }
0xc2: {  	[hbm4b:s5+s2] =	stream.indirect_vreg.scatter [tilespmem:s28], [sflag:$0x4], $0x80, v3, vm0, $0xb8;
	[tilespmem:$0x18400] =	vst v63  }
0xc3: {  	s3 =	simm.s32 $0x3400  }
0xc4: {  	[hbm4b:s6+s2] =	stream.indirect_vreg.scatter [tilespmem:s3], [sflag:$0x4], $0x80, v3, vm0, $0xb8;
	[tilespmem:$0x18400] =	vst v63  }
0xc5: {  	s28 =	simm.s32 $0x3C00  }
0xc6: {  	[hbm4b:s7+s2] =	stream.indirect_vreg.scatter [tilespmem:s28], [sflag:$0x4], $0x80, v3, vm0, $0xb8;
	[tilespmem:$0x18400] =	vst v63  }
0xc7: {  	v3 =	vld [tilespmem:$0x190];
	_ =	sdelay $0x4  }
0xc8: {  	v55 =	vshll.u32 v3, $0x3  }
0xc9: {  	v3 =	vand.u32 $0x7, v3;
	v4 =	vand.u32 $0xFFFFFFC0, v55  }
0xca: {  	v3 =	vor.u32 v3, v4  }
0xcb: {  	v4 =	vperm.xlane v3, v0;
	_ =	sdelay $0x1  }
0xcc: {  	v4 =	vadd.s32 v1, v4;
	_ =	sdelay $0x3  }
0xcd: {  	s3 =	simm.s32 $0x4400  }
0xce: {  	[hbm4b:s4+s2] =	stream.indirect_vreg.scatter [tilespmem:s3], [sflag:$0x4], $0x80, v4, vm0, $0xb8;
	[tilespmem:$0x18400] =	vst v63  }
0xcf: {  	s28 =	simm.s32 $0x4C00;
	v3 =	vperm.xlane v3, v2  }
0xd0: {  	[hbm4b:s5+s2] =	stream.indirect_vreg.scatter [tilespmem:s28], [sflag:$0x4], $0x80, v4, vm0, $0xb8;
	[tilespmem:$0x18400] =	vst v63  }
0xd1: {  	v3 =	vadd.s32 v1, v3;
	s3 =	simm.s32 $0x5400  }
0xd2: {  	[hbm4b:s6+s2] =	stream.indirect_vreg.scatter [tilespmem:s3], [sflag:$0x4], $0x80, v4, vm0, $0xb8;
	[tilespmem:$0x18400] =	vst v63  }
0xd3: {  	s28 =	simm.s32 $0x5C00  }
0xd4: {  	[hbm4b:s7+s2] =	stream.indirect_vreg.scatter [tilespmem:s28], [sflag:$0x4], $0x80, v4, vm0, $0xb8;
	[tilespmem:$0x18400] =	vst v63  }
0xd5: {  	s3 =	simm.s32 $0x6400  }
0xd6: {  	[hbm4b:s4+s2] =	stream.indirect_vreg.scatter [tilespmem:s3], [sflag:$0x4], $0x80, v3, vm0, $0xb8;
	[tilespmem:$0x18400] =	vst v63  }
0xd7: {  	s28 =	simm.s32 $0x6C00  }
0xd8: {  	[hbm4b:s5+s2] =	stream.indirect_vreg.scatter [tilespmem:s28], [sflag:$0x4], $0x80, v3, vm0, $0xb8;
	[tilespmem:$0x18400] =	vst v63  }
0xd9: {  	s3 =	simm.s32 $0x7400  }
0xda: {  	[hbm4b:s6+s2] =	stream.indirect_vreg.scatter [tilespmem:s3], [sflag:$0x4], $0x80, v3, vm0, $0xb8;
	[tilespmem:$0x18400] =	vst v63  }
0xdb: {  	s12 =	simm.s32 $0x6;
	s28 =	simm.s32 $0x7C00  }
0xdc: {  	[hbm4b:s7+s2] =	stream.indirect_vreg.scatter [tilespmem:s28], [sflag:$0x4], $0x80, v3, vm0, $0xb8;
	[tilespmem:$0x18400] =	vst v63  }
0xdd: {  	_ =	swait.ge [sflag:s12], $0x8000  }
0xde: {  	[sflag:s12] =	ssyncset.done $0x0  }
0xdf: {  	s3 =	rddreg [dreg:$0x8];
	[sflag:s12] =	ssyncadd.s32 $0xFFFF8000  }
0xe0: {  	[tilespmem:s10], [sflag:$0x3] =	stream.linear.gather [hbm4b:s3+s2], $0x8000, $0x38;
	[tilespmem:$0x18400] =	vst v63  }
0xe1: {  	_ =	swait.ge [sflag:s30], $0x8000  }
0xe2: {  	[sflag:s30] =	ssyncset.done $0x0  }
0xe3: {  	[sflag:s30] =	ssyncadd.s32 $0xFFFF8000  }
0xe4: {  	v3 =	vld [tilespmem:$0x200];
	_ =	sdelay $0x4  }
0xe5: {  	v56 =	vshll.u32 v3, $0x3  }
0xe6: {  	v3 =	vand.u32 $0x7, v3;
	v4 =	vand.u32 $0xFFFFFFC0, v56  }
0xe7: {  	v3 =	vor.u32 v3, v4  }
0xe8: {  	v4 =	vperm.xlane v3, v0;
	_ =	sdelay $0x1  }
0xe9: {  	v4 =	vadd.s32 v1, v4;
	_ =	sdelay $0x4  }
0xea: {  	[hbm4b:s4+s2] =	stream.indirect_vreg.scatter [tilespmem:s0], [sflag:$0x5], $0x80, v4, vm0, $0xb8;
	[tilespmem:$0x18400] =	vst v63  }
0xeb: {  	s9 =	simm.s32 $0x8C00;
	v3 =	vperm.xlane v3, v2  }
0xec: {  	[hbm4b:s5+s2] =	stream.indirect_vreg.scatter [tilespmem:s9], [sflag:$0x5], $0x80, v4, vm0, $0xb8;
	[tilespmem:$0x18400] =	vst v63  }
0xed: {  	s3 =	simm.s32 $0x9400;
	v3 =	vadd.s32 v1, v3  }
0xee: {  	[hbm4b:s6+s2] =	stream.indirect_vreg.scatter [tilespmem:s3], [sflag:$0x5], $0x80, v4, vm0, $0xb8;
	[tilespmem:$0x18400] =	vst v63  }
0xef: {  	s9 =	simm.s32 $0x9C00  }
0xf0: {  	[hbm4b:s7+s2] =	stream.indirect_vreg.scatter [tilespmem:s9], [sflag:$0x5], $0x80, v4, vm0, $0xb8;
	[tilespmem:$0x18400] =	vst v63  }
0xf1: {  	_ = 	snop  }
0xf2: {  	[hbm4b:s4+s2] =	stream.indirect_vreg.scatter [tilespmem:s13], [sflag:$0x5], $0x80, v3, vm0, $0xb8;
	[tilespmem:$0x18400] =	vst v63  }
0xf3: {  	_ = 	snop  }
0xf4: {  	[hbm4b:s5+s2] =	stream.indirect_vreg.scatter [tilespmem:s14], [sflag:$0x5], $0x80, v3, vm0, $0xb8;
	[tilespmem:$0x18400] =	vst v63  }
0xf5: {  	_ = 	snop  }
0xf6: {  	[hbm4b:s6+s2] =	stream.indirect_vreg.scatter [tilespmem:s15], [sflag:$0x5], $0x80, v3, vm0, $0xb8;
	[tilespmem:$0x18400] =	vst v63  }
0xf7: {  	s16 =	simm.s32 $0xBC00  }
0xf8: {  	[hbm4b:s7+s2] =	stream.indirect_vreg.scatter [tilespmem:s16], [sflag:$0x5], $0x80, v3, vm0, $0xb8;
	[tilespmem:$0x18400] =	vst v63  }
0xf9: {  	v3 =	vld [tilespmem:$0x210];
	_ =	sdelay $0x4  }
0xfa: {  	v57 =	vshll.u32 v3, $0x3  }
0xfb: {  	v3 =	vand.u32 $0x7, v3;
	v4 =	vand.u32 $0xFFFFFFC0, v57  }
0xfc: {  	v3 =	vor.u32 v3, v4  }
0xfd: {  	v4 =	vperm.xlane v3, v0;
	_ =	sdelay $0x1  }
0xfe: {  	v4 =	vadd.s32 v1, v4;
	_ =	sdelay $0x3  }
0xff: {  	s17 =	simm.s32 $0xC400  }
0x100: {  	[hbm4b:s4+s2] =	stream.indirect_vreg.scatter [tilespmem:s17], [sflag:$0x5], $0x80, v4, vm0, $0xb8;
	[tilespmem:$0x18400] =	vst v63  }
0x101: {  	s18 =	simm.s32 $0xCC00;
	v3 =	vperm.xlane v3, v2  }
0x102: {  	[hbm4b:s5+s2] =	stream.indirect_vreg.scatter [tilespmem:s18], [sflag:$0x5], $0x80, v4, vm0, $0xb8;
	[tilespmem:$0x18400] =	vst v63  }
0x103: {  	s16 =	simm.s32 $0xD400;
	v3 =	vadd.s32 v1, v3  }
0x104: {  	[hbm4b:s6+s2] =	stream.indirect_vreg.scatter [tilespmem:s16], [sflag:$0x5], $0x80, v4, vm0, $0xb8;
	[tilespmem:$0x18400] =	vst v63  }
0x105: {  	s17 =	simm.s32 $0xDC00  }
0x106: {  	[hbm4b:s7+s2] =	stream.indirect_vreg.scatter [tilespmem:s17], [sflag:$0x5], $0x80, v4, vm0, $0xb8;
	[tilespmem:$0x18400] =	vst v63  }
0x107: {  	s18 =	simm.s32 $0xE400  }
0x108: {  	[hbm4b:s4+s2] =	stream.indirect_vreg.scatter [tilespmem:s18], [sflag:$0x5], $0x80, v3, vm0, $0xb8;
	[tilespmem:$0x18400] =	vst v63  }
0x109: {  	_ = 	snop  }
0x10a: {  	[hbm4b:s5+s2] =	stream.indirect_vreg.scatter [tilespmem:s19], [sflag:$0x5], $0x80, v3, vm0, $0xb8;
	[tilespmem:$0x18400] =	vst v63  }
0x10b: {  	_ = 	snop  }
0x10c: {  	[hbm4b:s6+s2] =	stream.indirect_vreg.scatter [tilespmem:s20], [sflag:$0x5], $0x80, v3, vm0, $0xb8;
	[tilespmem:$0x18400] =	vst v63  }
0x10d: {  	s28 =	simm.s32 $0xFC00  }
0x10e: {  	[hbm4b:s7+s2] =	stream.indirect_vreg.scatter [tilespmem:s28], [sflag:$0x5], $0x80, v3, vm0, $0xb8;
	[tilespmem:$0x18400] =	vst v63  }
0x10f: {  	_ =	swait.ge [sflag:s23], $0x8000  }
0x110: {  	[sflag:s23] =	ssyncset.done $0x0  }
0x111: {  	s28 =	rddreg [dreg:$0x9];
	[sflag:s23] =	ssyncadd.s32 $0xFFFF8000  }
0x112: {  	[tilespmem:s11], [sflag:$0x1] =	stream.linear.gather [hbm4b:s28+s2], $0x8000, $0x38;
	[tilespmem:$0x18400] =	vst v63  }
0x113: {  	_ =	swait.ge [sflag:s26], $0x8000  }
0x114: {  	[sflag:s26] =	ssyncset.done $0x0  }
0x115: {  	[sflag:s26] =	ssyncadd.s32 $0xFFFF8000  }
0x116: {  	v3 =	vld [tilespmem:$0x280];
	_ =	sdelay $0x4  }
0x117: {  	v58 =	vshll.u32 v3, $0x3  }
0x118: {  	v3 =	vand.u32 $0x7, v3;
	v4 =	vand.u32 $0xFFFFFFC0, v58  }
0x119: {  	v3 =	vor.u32 v3, v4  }
0x11a: {  	v4 =	vperm.xlane v3, v0;
	_ =	sdelay $0x1  }
0x11b: {  	v4 =	vadd.s32 v1, v4;
	_ =	sdelay $0x4  }
0x11c: {  	[hbm4b:s4+s2] =	stream.indirect_vreg.scatter [tilespmem:s10], [sflag:$0x6], $0x80, v4, vm0, $0xb8;
	[tilespmem:$0x18400] =	vst v63  }
0x11d: {  	v3 =	vperm.xlane v3, v2  }
0x11e: {  	[hbm4b:s5+s2] =	stream.indirect_vreg.scatter [tilespmem:s31], [sflag:$0x6], $0x80, v4, vm0, $0xb8;
	[tilespmem:$0x18400] =	vst v63  }
0x11f: {  	s28 =	simm.s32 $0x11400;
	v3 =	vadd.s32 v1, v3  }
0x120: {  	[hbm4b:s6+s2] =	stream.indirect_vreg.scatter [tilespmem:s28], [sflag:$0x6], $0x80, v4, vm0, $0xb8;
	[tilespmem:$0x18400] =	vst v63  }
0x121: {  	s31 =	simm.s32 $0x11C00  }
0x122: {  	[hbm4b:s7+s2] =	stream.indirect_vreg.scatter [tilespmem:s31], [sflag:$0x6], $0x80, v4, vm0, $0xb8;
	[tilespmem:$0x18400] =	vst v63  }
0x123: {  	s28 =	simm.s32 $0x12400  }
0x124: {  	[hbm4b:s4+s2] =	stream.indirect_vreg.scatter [tilespmem:s28], [sflag:$0x6], $0x80, v3, vm0, $0xb8;
	[tilespmem:$0x18400] =	vst v63  }
0x125: {  	s31 =	simm.s32 $0x12C00  }
0x126: {  	[hbm4b:s5+s2] =	stream.indirect_vreg.scatter [tilespmem:s31], [sflag:$0x6], $0x80, v3, vm0, $0xb8;
	[tilespmem:$0x18400] =	vst v63  }
0x127: {  	s28 =	simm.s32 $0x13400  }
0x128: {  	[hbm4b:s6+s2] =	stream.indirect_vreg.scatter [tilespmem:s28], [sflag:$0x6], $0x80, v3, vm0, $0xb8;
	[tilespmem:$0x18400] =	vst v63  }
0x129: {  	s31 =	simm.s32 $0x13C00  }
0x12a: {  	[hbm4b:s7+s2] =	stream.indirect_vreg.scatter [tilespmem:s31], [sflag:$0x6], $0x80, v3, vm0, $0xb8;
	[tilespmem:$0x18400] =	vst v63  }
0x12b: {  	v3 =	vld [tilespmem:$0x290];
	_ =	sdelay $0x4  }
0x12c: {  	v59 =	vshll.u32 v3, $0x3  }
0x12d: {  	v3 =	vand.u32 $0x7, v3;
	v4 =	vand.u32 $0xFFFFFFC0, v59  }
0x12e: {  	v3 =	vor.u32 v3, v4  }
0x12f: {  	v4 =	vperm.xlane v3, v0;
	_ =	sdelay $0x1  }
0x130: {  	v4 =	vadd.s32 v1, v4;
	_ =	sdelay $0x3  }
0x131: {  	s28 =	simm.s32 $0x14400  }
0x132: {  	[hbm4b:s4+s2] =	stream.indirect_vreg.scatter [tilespmem:s28], [sflag:$0x6], $0x80, v4, vm0, $0xb8;
	[tilespmem:$0x18400] =	vst v63  }
0x133: {  	s31 =	simm.s32 $0x14C00;
	v3 =	vperm.xlane v3, v2  }
0x134: {  	[hbm4b:s5+s2] =	stream.indirect_vreg.scatter [tilespmem:s31], [sflag:$0x6], $0x80, v4, vm0, $0xb8;
	[tilespmem:$0x18400] =	vst v63  }
0x135: {  	v3 =	vadd.s32 v1, v3;
	s28 =	simm.s32 $0x15400  }
0x136: {  	[hbm4b:s6+s2] =	stream.indirect_vreg.scatter [tilespmem:s28], [sflag:$0x6], $0x80, v4, vm0, $0xb8;
	[tilespmem:$0x18400] =	vst v63  }
0x137: {  	s31 =	simm.s32 $0x15C00  }
0x138: {  	[hbm4b:s7+s2] =	stream.indirect_vreg.scatter [tilespmem:s31], [sflag:$0x6], $0x80, v4, vm0, $0xb8;
	[tilespmem:$0x18400] =	vst v63  }
0x139: {  	_ = 	snop  }
0x13a: {  	[hbm4b:s4+s2] =	stream.indirect_vreg.scatter [tilespmem:s21], [sflag:$0x6], $0x80, v3, vm0, $0xb8;
	[tilespmem:$0x18400] =	vst v63  }
0x13b: {  	_ = 	snop  }
0x13c: {  	[hbm4b:s5+s2] =	stream.indirect_vreg.scatter [tilespmem:s22], [sflag:$0x6], $0x80, v3, vm0, $0xb8;
	[tilespmem:$0x18400] =	vst v63  }
0x13d: {  	_ = 	snop  }
0x13e: {  	[hbm4b:s6+s2] =	stream.indirect_vreg.scatter [tilespmem:s24], [sflag:$0x6], $0x80, v3, vm0, $0xb8;
	[tilespmem:$0x18400] =	vst v63  }
0x13f: {  	_ = 	snop  }
0x140: {  	[hbm4b:s7+s2] =	stream.indirect_vreg.scatter [tilespmem:s29], [sflag:$0x6], $0x80, v3, vm0, $0xb8;
	[tilespmem:$0x18400] =	vst v63  }
0x141: {  	_ =	swait.ge [sflag:s25], $0x8000  }
0x142: {  	[sflag:s25] =	ssyncset.done $0x0  }
0x143: {  	s10 =	rddreg [dreg:$0xa];
	[sflag:s25] =	ssyncadd.s32 $0xFFFF8000  }
0x144: {  	[tilespmem:s0], [sflag:$0x2] =	stream.linear.gather [hbm4b:s10+s2], $0x8000, $0x38;
	[tilespmem:$0x18400] =	vst v63  }
0x145: {  	_ =	swait.ge [sflag:s1], $0x8000  }
0x146: {  	[sflag:s1] =	ssyncset.done $0x0  }
0x147: {  	[sflag:s1] =	ssyncadd.s32 $0xFFFF8000  }
0x148: {  	v3 =	vld [tilespmem:$0x300];
	_ =	sdelay $0x4  }
0x149: {  	v60 =	vshll.u32 v3, $0x3  }
0x14a: {  	v3 =	vand.u32 $0x7, v3;
	v4 =	vand.u32 $0xFFFFFFC0, v60  }
0x14b: {  	v3 =	vor.u32 v3, v4  }
0x14c: {  	v4 =	vperm.xlane v3, v0;
	_ =	sdelay $0x1  }
0x14d: {  	v4 =	vadd.s32 v1, v4;
	_ =	sdelay $0x4  }
0x14e: {  	[hbm4b:s4+s2] =	stream.indirect_vreg.scatter [tilespmem:s11], [sflag:$0x4], $0x80, v4, vm0, $0xb8;
	[tilespmem:$0x18400] =	vst v63  }
0x14f: {  	s28 =	simm.s32 $0xC00;
	v3 =	vperm.xlane v3, v2  }
0x150: {  	[hbm4b:s5+s2] =	stream.indirect_vreg.scatter [tilespmem:s28], [sflag:$0x4], $0x80, v4, vm0, $0xb8;
	[tilespmem:$0x18400] =	vst v63  }
0x151: {  	s31 =	simm.s32 $0x1400;
	v3 =	vadd.s32 v1, v3  }
0x152: {  	[hbm4b:s6+s2] =	stream.indirect_vreg.scatter [tilespmem:s31], [sflag:$0x4], $0x80, v4, vm0, $0xb8;
	[tilespmem:$0x18400] =	vst v63  }
0x153: {  	s28 =	simm.s32 $0x1C00  }
0x154: {  	[hbm4b:s7+s2] =	stream.indirect_vreg.scatter [tilespmem:s28], [sflag:$0x4], $0x80, v4, vm0, $0xb8;
	[tilespmem:$0x18400] =	vst v63  }
0x155: {  	s31 =	simm.s32 $0x2400  }
0x156: {  	[hbm4b:s4+s2] =	stream.indirect_vreg.scatter [tilespmem:s31], [sflag:$0x4], $0x80, v3, vm0, $0xb8;
	[tilespmem:$0x18400] =	vst v63  }
0x157: {  	s28 =	simm.s32 $0x2C00  }
0x158: {  	[hbm4b:s5+s2] =	stream.indirect_vreg.scatter [tilespmem:s28], [sflag:$0x4], $0x80, v3, vm0, $0xb8;
	[tilespmem:$0x18400] =	vst v63  }
0x159: {  	s31 =	simm.s32 $0x3400  }
0x15a: {  	[hbm4b:s6+s2] =	stream.indirect_vreg.scatter [tilespmem:s31], [sflag:$0x4], $0x80, v3, vm0, $0xb8;
	[tilespmem:$0x18400] =	vst v63  }
0x15b: {  	s28 =	simm.s32 $0x3C00  }
0x15c: {  	[hbm4b:s7+s2] =	stream.indirect_vreg.scatter [tilespmem:s28], [sflag:$0x4], $0x80, v3, vm0, $0xb8;
	[tilespmem:$0x18400] =	vst v63  }
0x15d: {  	v3 =	vld [tilespmem:$0x310];
	_ =	sdelay $0x4  }
0x15e: {  	v61 =	vshll.u32 v3, $0x3  }
0x15f: {  	v3 =	vand.u32 $0x7, v3;
	v4 =	vand.u32 $0xFFFFFFC0, v61  }
0x160: {  	v3 =	vor.u32 v3, v4  }
0x161: {  	v4 =	vperm.xlane v3, v0;
	_ =	sdelay $0x1  }
0x162: {  	v4 =	vadd.s32 v1, v4;
	_ =	sdelay $0x3  }
0x163: {  	s31 =	simm.s32 $0x4400  }
0x164: {  	[hbm4b:s4+s2] =	stream.indirect_vreg.scatter [tilespmem:s31], [sflag:$0x4], $0x80, v4, vm0, $0xb8;
	[tilespmem:$0x18400] =	vst v63  }
0x165: {  	s28 =	simm.s32 $0x4C00;
	v3 =	vperm.xlane v3, v2  }
0x166: {  	[hbm4b:s5+s2] =	stream.indirect_vreg.scatter [tilespmem:s28], [sflag:$0x4], $0x80, v4, vm0, $0xb8;
	[tilespmem:$0x18400] =	vst v63  }
0x167: {  	v3 =	vadd.s32 v1, v3;
	s31 =	simm.s32 $0x5400  }
0x168: {  	[hbm4b:s6+s2] =	stream.indirect_vreg.scatter [tilespmem:s31], [sflag:$0x4], $0x80, v4, vm0, $0xb8;
	[tilespmem:$0x18400] =	vst v63  }
0x169: {  	s28 =	simm.s32 $0x5C00  }
0x16a: {  	[hbm4b:s7+s2] =	stream.indirect_vreg.scatter [tilespmem:s28], [sflag:$0x4], $0x80, v4, vm0, $0xb8;
	[tilespmem:$0x18400] =	vst v63  }
0x16b: {  	s31 =	simm.s32 $0x6400  }
0x16c: {  	[hbm4b:s4+s2] =	stream.indirect_vreg.scatter [tilespmem:s31], [sflag:$0x4], $0x80, v3, vm0, $0xb8;
	[tilespmem:$0x18400] =	vst v63  }
0x16d: {  	s28 =	simm.s32 $0x6C00  }
0x16e: {  	[hbm4b:s5+s2] =	stream.indirect_vreg.scatter [tilespmem:s28], [sflag:$0x4], $0x80, v3, vm0, $0xb8;
	[tilespmem:$0x18400] =	vst v63  }
0x16f: {  	s31 =	simm.s32 $0x7400  }
0x170: {  	[hbm4b:s6+s2] =	stream.indirect_vreg.scatter [tilespmem:s31], [sflag:$0x4], $0x80, v3, vm0, $0xb8;
	[tilespmem:$0x18400] =	vst v63  }
0x171: {  	s28 =	simm.s32 $0x7C00  }
0x172: {  	[hbm4b:s7+s2] =	stream.indirect_vreg.scatter [tilespmem:s28], [sflag:$0x4], $0x80, v3, vm0, $0xb8;
	[tilespmem:$0x18400] =	vst v63  }
0x173: {  	_ =	swait.ge [sflag:s30], $0x8000  }
0x174: {  	[sflag:s30] =	ssyncset.done $0x0  }
0x175: {  	[sflag:s30] =	ssyncadd.s32 $0xFFFF8000  }
0x176: {  	v3 =	vld [tilespmem:$0x380];
	_ =	sdelay $0x4  }
0x177: {  	v62 =	vshll.u32 v3, $0x3  }
0x178: {  	v3 =	vand.u32 $0x7, v3;
	v4 =	vand.u32 $0xFFFFFFC0, v62  }
0x179: {  	v3 =	vor.u32 v3, v4  }
0x17a: {  	v4 =	vperm.xlane v3, v0;
	_ =	sdelay $0x1  }
0x17b: {  	v4 =	vadd.s32 v1, v4;
	_ =	sdelay $0x4  }
0x17c: {  	[hbm4b:s4+s2] =	stream.indirect_vreg.scatter [tilespmem:s0], [sflag:$0x5], $0x80, v4, vm0, $0xb8;
	[tilespmem:$0x18400] =	vst v63  }
0x17d: {  	s31 =	simm.s32 $0x8C00;
	v3 =	vperm.xlane v3, v2  }
0x17e: {  	[hbm4b:s5+s2] =	stream.indirect_vreg.scatter [tilespmem:s31], [sflag:$0x5], $0x80, v4, vm0, $0xb8;
	[tilespmem:$0x18400] =	vst v63  }
0x17f: {  	v3 =	vadd.s32 v1, v3  }
0x180: {  	[hbm4b:s6+s2] =	stream.indirect_vreg.scatter [tilespmem:s3], [sflag:$0x5], $0x80, v4, vm0, $0xb8;
	[tilespmem:$0x18400] =	vst v63  }
0x181: {  	_ = 	snop  }
0x182: {  	[hbm4b:s7+s2] =	stream.indirect_vreg.scatter [tilespmem:s9], [sflag:$0x5], $0x80, v4, vm0, $0xb8;
	[tilespmem:$0x18400] =	vst v63  }
0x183: {  	_ = 	snop  }
0x184: {  	[hbm4b:s4+s2] =	stream.indirect_vreg.scatter [tilespmem:s13], [sflag:$0x5], $0x80, v3, vm0, $0xb8;
	[tilespmem:$0x18400] =	vst v63  }
0x185: {  	_ = 	snop  }
0x186: {  	[hbm4b:s5+s2] =	stream.indirect_vreg.scatter [tilespmem:s14], [sflag:$0x5], $0x80, v3, vm0, $0xb8;
	[tilespmem:$0x18400] =	vst v63  }
0x187: {  	_ = 	snop  }
0x188: {  	[hbm4b:s6+s2] =	stream.indirect_vreg.scatter [tilespmem:s15], [sflag:$0x5], $0x80, v3, vm0, $0xb8;
	[tilespmem:$0x18400] =	vst v63  }
0x189: {  	s9 =	simm.s32 $0xBC00  }
0x18a: {  	[hbm4b:s7+s2] =	stream.indirect_vreg.scatter [tilespmem:s9], [sflag:$0x5], $0x80, v3, vm0, $0xb8;
	[tilespmem:$0x18400] =	vst v63  }
0x18b: {  	v3 =	vld [tilespmem:$0x390];
	_ =	sdelay $0x4  }
0x18c: {  	v63 =	vshll.u32 v3, $0x3  }
0x18d: {  	v3 =	vand.u32 $0x7, v3;
	v4 =	vand.u32 $0xFFFFFFC0, v63  }
0x18e: {  	v3 =	vor.u32 v3, v4  }
0x18f: {  	v4 =	vperm.xlane v3, v0;
	_ =	sdelay $0x1  }
0x190: {  	v4 =	vadd.s32 v1, v4;
	_ =	sdelay $0x3  }
0x191: {  	s10 =	simm.s32 $0xC400  }
0x192: {  	[hbm4b:s4+s2] =	stream.indirect_vreg.scatter [tilespmem:s10], [sflag:$0x5], $0x80, v4, vm0, $0xb8;
	[tilespmem:$0x18400] =	vst v63  }
0x193: {  	s28 =	simm.s32 $0xCC00;
	v3 =	vperm.xlane v3, v2  }
0x194: {  	[hbm4b:s5+s2] =	stream.indirect_vreg.scatter [tilespmem:s28], [sflag:$0x5], $0x80, v4, vm0, $0xb8;
	[tilespmem:$0x18400] =	vst v63  }
0x195: {  	v3 =	vadd.s32 v1, v3  }
0x196: {  	[hbm4b:s6+s2] =	stream.indirect_vreg.scatter [tilespmem:s16], [sflag:$0x5], $0x80, v4, vm0, $0xb8;
	[tilespmem:$0x18400] =	vst v63  }
0x197: {  	_ = 	snop  }
0x198: {  	[hbm4b:s7+s2] =	stream.indirect_vreg.scatter [tilespmem:s17], [sflag:$0x5], $0x80, v4, vm0, $0xb8;
	[tilespmem:$0x18400] =	vst v63  }
0x199: {  	_ = 	snop  }
0x19a: {  	[hbm4b:s4+s2] =	stream.indirect_vreg.scatter [tilespmem:s18], [sflag:$0x5], $0x80, v3, vm0, $0xb8;
	[tilespmem:$0x18400] =	vst v63  }
0x19b: {  	_ = 	snop  }
0x19c: {  	[hbm4b:s5+s2] =	stream.indirect_vreg.scatter [tilespmem:s19], [sflag:$0x5], $0x80, v3, vm0, $0xb8;
	[tilespmem:$0x18400] =	vst v63  }
0x19d: {  	_ = 	snop  }
0x19e: {  	[hbm4b:s6+s2] =	stream.indirect_vreg.scatter [tilespmem:s20], [sflag:$0x5], $0x80, v3, vm0, $0xb8;
	[tilespmem:$0x18400] =	vst v63  }
0x19f: {  	s31 =	simm.s32 $0xFC00  }
0x1a0: {  	[hbm4b:s7+s2] =	stream.indirect_vreg.scatter [tilespmem:s31], [sflag:$0x5], $0x80, v3, vm0, $0xb8;
	[tilespmem:$0x18400] =	vst v63  }
0x1a1: {  	_ =	swait.ge [sflag:s12], $0x8000  }
0x1a2: {  	[sflag:s12] =	ssyncset.done $0x0  }
0x1a3: {  	[sflag:s12] =	ssyncadd.s32 $0xFFFF8000  }
0x1a4: {  	p0 =	sne.s32 s8, $0x1;
	_ =	swait.ge [sflag:s23], $0x8000  }
.Ltmp0:
0x1a5: {  	[sflag:s23] =	ssyncset.done $0x0;
	(pc) =	sbr.rel @p0 .LBB2_1-.Ltmp0, $4  }
0x1a6: {  	[sflag:s23] =	ssyncadd.s32 $0xFFFF8000  }
0x1a7: {  	_ =	swait.ge [sflag:s25], $0x8000  }
0x1a8: {  	[sflag:s25] =	ssyncset.done $0x0  }
0x1a9: {  	s8 =	sadd.s32 $0xFFFFFFFF, s8;
	[sflag:s25] =	ssyncadd.s32 $0xFFFF8000  }
0x1aa: {  	_ =	sfence.sel $0x180000  }
0x1ab: {  	[bflag:$0x0] =	sbarrier.arrive $0xFFFF  }
0x1ac: {  	_ =	strace $0x90000047  }
0x1ad: {  	s0 =	stileid.u32;
	[bflag:$0x2] =	sbarrier.arrive $0xFFFF  }
0x1ae: {  	p0 =	sne.s32 s0, $0x0;
	s0 =	rddreg [dreg:$0x2]  }
0x1af: {  	s0 =	sadd.s32 @!p0 $0x100000, s0  }
0x1b0: {  	[sflag:s0] =	ssyncadd.tile.s32 @!p0 $0x1;
	_ =	shalt  }
.Lfunc_end2:
_tile_overlayer_lowered:
.L_overlay_start_2:
0x1b1: {  	(tag) =	ssettag $0x2  }
0x1b2: {  	s0 =	rddreg [dreg:$0x0];
	s2 =	stileid.u32  }
0x1b3: {  	s1 =	rddreg [dreg:$0x1];
	p0 =	sne.s32 s2, $0x0  }
0x1b4: {  	s3 =	rddreg [dreg:$0x2];
	[bflag:$0x3] =	sbarrier.arrive $0xFFFF;
	s2 =	simm.s32 @!p0 $0x1C07  }
0x1b5: {  	[timem:s3], [sflag:s2] =	dma.local @!p0 [hbm:s0], s1  }
0x1b6: {  	s0 =	simm.s32 @!p0 $0x7  }
0x1b7: {  	_ =	swait.ge @!p0 [sflag:s0], s1  }
0x1b8: {  	s1 =	ssub.s32 @!p0 $0x0, s1;
	[sflag:s0] =	ssyncset.done @!p0 $0x0  }
0x1b9: {  	[sflag:s0] =	ssyncadd.s32 @!p0 s1  }
0x1ba: {  	[bflag:$0x3] =	sbarrier.arrive $0xFFFF  }
0x1bb: {  	_ =	shalt  }

// kernel: kernel.8.cloned.1.call-start
scs
__scs_entry_jumppad:
0x0: {  	(pc) =	sbr.rel $0x88, $3  }
0x1: {  	(tag) =	ssettag $0x0;
	lr =	simm.s32 $0x1  }
0x2: {  	[smem:$0x3F9D] =	sst lr;
	_ =	strace $0xD0000000  }
0x3: {  	_ = 	snop  }
0x4: {  	_ = 	snop  }
0x5: {  	_ = 	snop  }
0x6: {  	_ = 	snop  }
0x7: {  	_ = 	snop  }
__scs_overlays_trampoline_lowered:
0x8: {  	[smem:$0x3FAC] =	sst s0  }
0x9: {  	[smem:$0x3FAD] =	sst s1  }
0xa: {  	[smem:$0x3FAE] =	sst s2  }
0xb: {  	[smem:$0x3FAF] =	sst s3  }
0xc: {  	[smem:$0x3FB0] =	sst s4  }
0xd: {  	[smem:$0x3FB1] =	sst s5  }
0xe: {  	[smem:$0x3FB2] =	sst s6  }
0xf: {  	[smem:$0x3FB3] =	sst s7  }
0x10: {  	[smem:$0x3FB4] =	sst s8  }
0x11: {  	[smem:$0x3FB5] =	sst s9;
	s0 =	simm.s32 @!p0 $0x0  }
0x12: {  	s1 =	sld [smem:$0x3F9B];
	s0 =	simm.s32 @p0 $0x1  }
0x13: {  	[smem:$0x3FB6] =	sst s0;
	s0 =	simm.s32 @!p1 $0x0  }
0x14: {  	s2 =	sld [smem:$0x3F9A];
	s0 =	simm.s32 @p1 $0x1  }
0x15: {  	[smem:$0x3FB7] =	sst s0;
	s0 =	simm.s32 @!p2 $0x0  }
0x16: {  	s3 =	sld [smem:$0x3FDB];
	s0 =	simm.s32 @p2 $0x1  }
0x17: {  	s4 =	simm.s32 $0x1BF5;
	[smem:$0x3FB9] =	sst s0  }
0x18: {  	s0 =	sld [smem:$0x3F9C];
	_ =	swait.ge [sflag:s4], $0x0  }
0x19: {  	s7 =	sld [smem:$0x3F9D]  }
0x1a: {  	s8 =	sadd.s32 $0xFFFFE003, lr  }
0x1b: {  	s9 =	sadd.s32 $0xFFFFFEF7, lr;
	s5 =	simm.s32 $0xFFFFFFFF;
	p2 =	slt.u32 s8, $0xFFFFF086  }
0x1c: {  	p1 =	slt.u32 s9, $0xF7A;
	s5 =	simm.s32 @!p2 $0x0  }
0x1d: {  	s5 =	simm.s32 @p1 $0x1;
	p0 =	seq.s32 s7, s2  }
0x1e: {  	s7 =	smul.u32 @!p0 $0xF7A, s2;
	p2 =	seq.s32 @!p0 s5, $0x0  }
0x1f: {  	s9 =	smul.u32 $0xF7A, s1;
	s8 =	simm.s32 @!p0 $0x1BF5;
	p2 =	por !p2, p0  }
0x20: {  	[sflag:s8] =	ssyncset.s32 @!p0 $0xFFFFF086;
	s6 =	sadd.s32 @!p0 s3, s7;
	s7 =	simm.s32 @!p0 $0x108  }
0x21: {  	s3 =	sadd.s32 s3, s9;
	s6 =	sadd.s32 @!p0 $0x88, s6;
	s7 =	simm.s32 @p2 $0x1082  }
0x22: {  	[simem:s7], [sflag:s8] =	dma.local @!p0 [hbm:s6], $0xF7A  }
0x23: {  	s9 =	sor.u32 $0xD0000000, s2;
	s6 =	simm.s32 $0x108;
	_ =	swait.ge @!p0 [sflag:s8], $0x0  }
0x24: {  	s3 =	sadd.s32 $0x88, s3;
	s6 =	simm.s32 @!p1 $0x1082;
	[sflag:s4] =	ssyncset.s32 $0xFFFFF086  }
0x25: {  	[simem:s6], [sflag:s4] =	dma.local [hbm:s3], $0xF7A  }
0x26: {  	[smem:$0x3F9D] =	sst s1;
	(tag) =	ssettag s2;
	_ =	strace s9  }
0x27: {  	s1 =	sld [smem:$0x3FAD]  }
0x28: {  	s2 =	sld [smem:$0x3FAE]  }
0x29: {  	s4 =	sld [smem:$0x3FB0]  }
0x2a: {  	p0 =	seq.s32 s5, $0x0;
	s5 =	sld [smem:$0x3FB1]  }
0x2b: {  	s6 =	sld [smem:$0x3FB2]  }
0x2c: {  	s7 =	sld [smem:$0x3FB3]  }
0x2d: {  	s3 =	simm.s32 $0x108;
	s8 =	sld [smem:$0x3FB4]  }
0x2e: {  	s3 =	simm.s32 @!p0 $0x1082;
	s9 =	sld [smem:$0x3FB5]  }
0x2f: {  	lr =	sadd.s32 s0, s3;
	s0 =	sld [smem:$0x3FAC]  }
0x30: {  	s3 =	sld [smem:$0x3FAF]  }
0x31: {  	[smem:$0x3FB8] =	sst s10  }
0x32: {  	s10 =	sld [smem:$0x3FB6];
	_ =	sdelay $0x3  }
0x33: {  	p0 =	seq.s32 s10, $0x1;
	s10 =	sld [smem:$0x3FB8];
	_ =	sdelay $0x3  }
0x34: {  	[smem:$0x3FB8] =	sst s10  }
0x35: {  	s10 =	sld [smem:$0x3FB7];
	_ =	sdelay $0x3  }
0x36: {  	p1 =	seq.s32 s10, $0x1;
	s10 =	sld [smem:$0x3FB8];
	_ =	sdelay $0x3  }
0x37: {  	[smem:$0x3FB8] =	sst s10  }
0x38: {  	s10 =	sld [smem:$0x3FB9]  }
0x39: {  	_ = 	snop;
	(pc) =	sbr.ind lr, $3  }
0x3a: {  	_ = 	snop  }
0x3b: {  	_ = 	snop  }
0x3c: {  	p2 =	seq.s32 s10, $0x1;
	s10 =	sld [smem:$0x3FB8]  }
0x3d: {  	_ =	shalt  }
0x3e: {  	_ =	shalt  }
0x3f: {  	_ =	shalt  }
0x40: {  	_ =	shalt  }
0x41: {  	_ =	shalt  }
0x42: {  	_ =	shalt  }
0x43: {  	_ =	shalt  }
0x44: {  	_ =	shalt  }
0x45: {  	_ =	shalt  }
0x46: {  	_ =	shalt  }
0x47: {  	_ =	shalt  }
0x48: {  	_ =	shalt  }
0x49: {  	_ =	shalt  }
0x4a: {  	_ =	shalt  }
0x4b: {  	_ =	shalt  }
0x4c: {  	_ =	shalt  }
0x4d: {  	_ =	shalt  }
0x4e: {  	_ =	shalt  }
0x4f: {  	_ =	shalt  }
0x50: {  	_ =	shalt  }
0x51: {  	_ =	shalt  }
0x52: {  	_ =	shalt  }
0x53: {  	_ =	shalt  }
0x54: {  	_ =	shalt  }
0x55: {  	_ =	shalt  }
0x56: {  	_ =	shalt  }
0x57: {  	_ =	shalt  }
0x58: {  	_ =	shalt  }
0x59: {  	_ =	shalt  }
0x5a: {  	_ =	shalt  }
0x5b: {  	_ =	shalt  }
0x5c: {  	_ =	shalt  }
0x5d: {  	_ =	shalt  }
0x5e: {  	_ =	shalt  }
0x5f: {  	_ =	shalt  }
0x60: {  	_ =	shalt  }
0x61: {  	_ =	shalt  }
0x62: {  	_ =	shalt  }
0x63: {  	_ =	shalt  }
0x64: {  	_ =	shalt  }
0x65: {  	_ =	shalt  }
0x66: {  	_ =	shalt  }
0x67: {  	_ =	shalt  }
0x68: {  	_ =	shalt  }
0x69: {  	_ =	shalt  }
0x6a: {  	_ =	shalt  }
0x6b: {  	_ =	shalt  }
0x6c: {  	_ =	shalt  }
0x6d: {  	_ =	shalt  }
0x6e: {  	_ =	shalt  }
0x6f: {  	_ =	shalt  }
0x70: {  	_ =	shalt  }
0x71: {  	_ =	shalt  }
0x72: {  	_ =	shalt  }
0x73: {  	_ =	shalt  }
0x74: {  	_ =	shalt  }
0x75: {  	_ =	shalt  }
0x76: {  	_ =	shalt  }
0x77: {  	_ =	shalt  }
0x78: {  	_ =	shalt  }
0x79: {  	_ =	shalt  }
0x7a: {  	_ =	shalt  }
0x7b: {  	_ =	shalt  }
0x7c: {  	_ =	shalt  }
0x7d: {  	_ =	shalt  }
0x7e: {  	_ =	shalt  }
0x7f: {  	_ =	shalt  }
0x80: {  	_ =	shalt  }
0x81: {  	_ =	shalt  }
0x82: {  	_ =	shalt  }
0x83: {  	_ =	shalt  }
0x84: {  	_ =	shalt  }
0x85: {  	_ =	shalt  }
0x86: {  	_ =	shalt  }
0x87: {  	_ =	shalt  }
.Lfunc_end0:
.L_simem_size_0:
called_computation.1_lowered:
.L_overlay_start_0:
0x88: {  	s2 =	sld [smem:$0x3FD9]  }
0x89: {  	s3 =	sld [smem:$0x3FFE];
	_ =	sdelay $0x1  }
0x8a: {  	s1 =	srdreg.scid  }
0x8b: {  	s0 =	sand.u32 $0x1, s1  }
0x8c: {  	s17 =	sshll.u32 s0, $0xA;
	s2 =	sadd.s32 s3, s2  }
0x8d: {  	s2 =	sadd.s32 s2, s17  }
0x8e: {  	[smem:$0x3FC4] =	sst s2  }
0x8f: {  	_ = 	snop  }
0x90: {  	s2 =	sld [smem:$0x3FD0];
	(tm) =	ssettm $0x1  }
0x91: {  	s18 =	sld [smem:$0x3FFB];
	_ =	sdelay $0x3  }
0x92: {  	_ =	strace s18  }
0x93: {  	s3 =	sld [smem:$0x3FFC];
	_ =	sdelay $0x3  }
0x94: {  	_ =	strace s3  }
0x95: {  	s3 =	sld [smem:$0x3FFD];
	_ =	sdelay $0x3  }
0x96: {  	_ =	strace s3  }
0x97: {  	_ =	strace $0x8FFFFFFF  }
0x98: {  	s19 =	sld [smem:$0x3FDB];
	_ =	sdelay $0x1  }
0x99: {  	s4 =	simm.s32 $_scs_section_size  }
0x9a: {  	s5 =	simm.s32 $_size__tile_overlayer_lowered;
	s6 =	simm.s32 $_tile_overlayer_lowered  }
0x9b: {  	s22 =	simm.s32 $0x1BFF;
	s21 =	sshll.u32 s6, $0x1;
	s3 =	sadd.s32 s4, s19  }
0x9c: {  	s7 =	simm.s32 $0x0;
	s20 =	sshll.u32 s5, $0x1;
	s5 =	sadd.s32 s21, s3  }
0x9d: {  	[timem:s7], [sflag:s22] =	dma.local [hbm:s5], s20  }
0x9e: {  	_ =	swait.ge [sflag:s22], s20  }
0x9f: {  	s4 =	ssub.s32 $0x0, s20;
	[sflag:s22] =	ssyncset.done $0x0  }
0xa0: {  	[sflag:s22] =	ssyncadd.s32 s4;
	_ =	sdelay $0x1  }
0xa1: {  	s23 =	simm.s32 $0x1B8B  }
0xa2: {  	_ =	swait.ge [sflag:s23], $0x1  }
0xa3: {  	[sflag:s23] =	ssyncset.done $0x0  }
0xa4: {  	s25 =	simm.s32 $0x1B8E;
	s24 =	sld [smem:$0x3FFE];
	[sflag:s23] =	ssyncadd.s32 $0xFFFFFFFF  }
0xa5: {  	s26 =	simm.s32 $execute0_lowered;
	[smem:$0x3FD2] =	sst s25  }
0xa6: {  	s5 =	sshll.u32 s26, $0x1;
	_ =	strace $0x80000049;
	[dreg:$0x1] =	wrdreg $0xFFFFFFFF  }
0xa7: {  	s28 =	simm.s32 $_size_execute0_lowered;
	s3 =	sadd.s32 s3, s5;
	[dreg:$0x0] =	wrdreg $0x0  }
0xa8: {  	s5 =	sshll.u32 s28, $0x1;
	[dreg:$0x2] =	wrdreg s3  }
0xa9: {  	[dreg:$0x3] =	wrdreg s5  }
0xaa: {  	[dreg:$0x4] =	wrdreg $0xC0  }
0xab: {  	_ =	task [dreg:s7], $0x5FFFF  }
0xac: {  	[dreg:$0x1] =	wrdreg $0xFFFFFFFF  }
0xad: {  	[dreg:$0x0] =	wrdreg $0x60  }
0xae: {  	[dreg:$0x2] =	wrdreg s24  }
0xaf: {  	[dreg:$0x3] =	wrdreg s2  }
0xb0: {  	[dreg:$0x4] =	wrdreg $0x9  }
0xb1: {  	_ =	task.clear_ibuf [dreg:s7], $0x5FFFF;
	_ =	strace $0x90000049  }
0xb2: {  	s29 =	simm.s32 $0x9;
	_ =	strace $0x8000004B  }
0xb3: {  	_ =	swait.ge [sflag:s29], $0x1  }
0xb4: {  	[sflag:s29] =	ssyncadd.s32 $0xFFFFFFFF  }
0xb5: {  	_ =	strace $0x9000004B  }
0xb6: {  	_ =	sfence  }
0xb7: {  	s30 =	sld [smem:$0x0];
	_ =	sdelay $0x2  }
0xb8: {  	s31 =	sshll.u32 s1, $0xD;
	s1 =	sshrl.u32 s1, $0x2  }
0xb9: {  	s3 =	sand.u32 $0x4000, s31;
	s1 =	sadd.s32 s1, s30  }
0xba: {  	s0 =	sor.u32 s3, s0;
	s1 =	sshll.u32 s1, $0x11  }
0xbb: {  	s0 =	sor.u32 s1, s0  }
0xbc: {  	s0 =	sadd.s32 $0x8F2B, s0  }
0xbd: {  	[sflag:s0] =	ssyncadd.remote.s32 $0x1  }
0xbe: {  	_ =	sfence.sel $0xFFFF  }
0xbf: {  	[dreg:$0x0] =	wrdreg $0xFFFFFFFF;
	(pc) =	sbr.abs _section_cstart, $3  }
0xc0: {  	[dreg:$0x1] =	wrdreg $0xFFFFFFFF  }
0xc1: {  	_ =	task.clear_ibuf [dreg:s7], $0x2FFFF;
	_ =	strace $0x9FFFFFFF  }
0xc2: {  	(tm) =	ssettm $0x7FFFFFFF  }
0xc3: {  	_ =	shalt  }
tec
execute0_lowered:
.L_overlay_start_1:
0x0: {  	(tag) =	ssettag $0x1  }
0x1: {  	s0 =	rddreg [dreg:$0x0];
	s1 =	srdreg.scid  }
0x2: {  	s2 =	stileid.u32;
	s3 =	rddreg [dreg:$0x1];
	s18 =	simm.s32 $0x1  }
0x3: {  	s31 =	simm.s32 $0x3;
	s9 =	simm.s32 $0x11400;
	s10 =	simm.s32 $0x11C00  }
0x4: {  	s11 =	simm.s32 $0x12400;
	s12 =	simm.s32 $0x12C00;
	s13 =	simm.s32 $0x13400  }
0x5: {  	s14 =	simm.s32 $0x13C00;
	s15 =	simm.s32 $0x14400;
	s16 =	simm.s32 $0x14C00  }
0x6: {  	s17 =	simm.s32 $0x15400;
	s19 =	simm.s32 $0x15C00;
	s28 =	simm.s32 $0x16C00  }
0x7: {  	s29 =	simm.s32 $0x17400;
	s1 =	sand.u32 $0x1, s1;
	s4 =	sshll.u32 s2, $0x1  }
0x8: {  	s30 =	simm.s32 $0x17C00;
	s2 =	simm.s32 $0x0;
	s4 =	sor.u32 s1, s4  }
0x9: {  	s6 =	sadd.s32 $0x179200, s0;
	s7 =	sadd.s32 $0x179300, s0;
	s5 =	sshll.u32 s4, $0x7  }
0xa: {  	[smem:$0x7FF] =	sst s2;
	s4 =	sshll.u32 s4, $0xF;
	s5 =	sadd.s32 s0, s5  }
0xb: {  	_ =	strace $0x8000004A;
	s8 =	sadd.s32 s3, s4;
	[dreg:$0x3] =	wrdreg s5  }
0xc: {  	s1 =	ssub.s32 $0x2, s1;
	s3 =	sadd.s32 $0x1000, s8;
	[dreg:$0xb] =	wrdreg s8  }
0xd: {  	s21 =	sshrl.u32 s1, $0x1;
	s20 =	sadd.s32 $0x2000, s8;
	[dreg:$0x4] =	wrdreg s3  }
0xe: {  	s4 =	sadd.s32 $0x179000, s0;
	s22 =	sadd.s32 $0x3000, s8;
	[dreg:$0x5] =	wrdreg s20  }
0xf: {  	s1 =	ssub.s32 s1, s21;
	s23 =	sadd.s32 $0x4000, s8;
	[dreg:$0x6] =	wrdreg s22  }
0x10: {  	s21 =	simm.s32 $0x4;
	s24 =	sadd.s32 $0x5000, s8;
	[dreg:$0x7] =	wrdreg s23  }
0x11: {  	s5 =	sadd.s32 $0x179100, s0;
	s25 =	sadd.s32 $0x6000, s8;
	[dreg:$0x8] =	wrdreg s24  }
0x12: {  	v2 =	vlaneseq.u32;
	s26 =	sadd.s32 $0x7000, s8;
	s8 =	smax.u32 s1, $0x1;
	[dreg:$0x9] =	wrdreg s25  }
0x13: {  	vm0 =	vmmov $0xffff;
	v1 =	vshrl.u32 v2, $0x3;
	[dreg:$0xa] =	wrdreg s26;
	s20 =	simm.s32 $0x2;
	s23 =	simm.s32 $0x5  }
0x14: {  	v0 =	vand.u32 $0x7, v2;
	v2 =	vor.u32 $0x8, v2;
	v1 =	vmul.u32 $0x8, v1;
	s24 =	simm.s32 $0x6;
	s26 =	simm.s32 $0x400;
	s22 =	simm.s32 $0x16400  }
.LBB2_1:
0x15: {  	s25 =	rddreg [dreg:$0x3];
	s3 =	simm.s32 $0x7  }
0x16: {  	[tilespmem:s2], [sflag:$0x7] =	stream.linear.gather [hbm4b:s25+s2], $0x400, $0x38;
	[tilespmem:$0x18400] =	vst v63  }
0x17: {  	_ =	swait.ge [sflag:s3], $0x400  }
0x18: {  	[sflag:s3] =	ssyncset.done $0x0  }
0x19: {  	[sflag:s3] =	ssyncadd.s32 $0xFFFFFC00  }
0x1a: {  	v3 =	vld [tilespmem:$0x0];
	_ =	sdelay $0x4  }
0x1b: {  	v4 =	vshll.u32 v3, $0x3  }
0x1c: {  	v3 =	vand.u32 $0x7, v3;
	v4 =	vand.u32 $0xFFFFFFC0, v4  }
0x1d: {  	v3 =	vor.u32 v3, v4  }
0x1e: {  	v4 =	vperm.xlane v3, v0;
	_ =	sdelay $0x1  }
0x1f: {  	v4 =	vadd.s32 v1, v4;
	_ =	sdelay $0x4  }
0x20: {  	[tilespmem:s26], [sflag:$0x1] =	stream.indirect_vreg.gather [hbm4b:s4+s2], $0x80, v4, vm0, $0xb8;
	[tilespmem:$0x18400] =	vst v63  }
0x21: {  	s0 =	simm.s32 $0xC00;
	v3 =	vperm.xlane v3, v2  }
0x22: {  	[tilespmem:s0], [sflag:$0x1] =	stream.indirect_vreg.gather [hbm4b:s5+s2], $0x80, v4, vm0, $0xb8;
	[tilespmem:$0x18400] =	vst v63  }
0x23: {  	s25 =	simm.s32 $0x1400;
	v3 =	vadd.s32 v1, v3  }
0x24: {  	[tilespmem:s25], [sflag:$0x1] =	stream.indirect_vreg.gather [hbm4b:s6+s2], $0x80, v4, vm0, $0xb8;
	[tilespmem:$0x18400] =	vst v63  }
0x25: {  	s1 =	simm.s32 $0x1C00  }
0x26: {  	[tilespmem:s1], [sflag:$0x1] =	stream.indirect_vreg.gather [hbm4b:s7+s2], $0x80, v4, vm0, $0xb8;
	[tilespmem:$0x18400] =	vst v63  }
0x27: {  	s3 =	simm.s32 $0x2400  }
0x28: {  	[tilespmem:s3], [sflag:$0x1] =	stream.indirect_vreg.gather [hbm4b:s4+s2], $0x80, v3, vm0, $0xb8;
	[tilespmem:$0x18400] =	vst v63  }
0x29: {  	s25 =	simm.s32 $0x2C00  }
0x2a: {  	[tilespmem:s25], [sflag:$0x1] =	stream.indirect_vreg.gather [hbm4b:s5+s2], $0x80, v3, vm0, $0xb8;
	[tilespmem:$0x18400] =	vst v63  }
0x2b: {  	s1 =	simm.s32 $0x3400  }
0x2c: {  	[tilespmem:s1], [sflag:$0x1] =	stream.indirect_vreg.gather [hbm4b:s6+s2], $0x80, v3, vm0, $0xb8;
	[tilespmem:$0x18400] =	vst v63  }
0x2d: {  	s3 =	simm.s32 $0x3C00  }
0x2e: {  	[tilespmem:s3], [sflag:$0x1] =	stream.indirect_vreg.gather [hbm4b:s7+s2], $0x80, v3, vm0, $0xb8;
	[tilespmem:$0x18400] =	vst v63  }
0x2f: {  	v3 =	vld [tilespmem:$0x10];
	_ =	sdelay $0x4  }
0x30: {  	v49 =	vshll.u32 v3, $0x3  }
0x31: {  	v3 =	vand.u32 $0x7, v3;
	v4 =	vand.u32 $0xFFFFFFC0, v49  }
0x32: {  	v3 =	vor.u32 v3, v4  }
0x33: {  	v4 =	vperm.xlane v3, v0;
	_ =	sdelay $0x1  }
0x34: {  	v4 =	vadd.s32 v1, v4;
	_ =	sdelay $0x3  }
0x35: {  	s25 =	simm.s32 $0x4400  }
0x36: {  	[tilespmem:s25], [sflag:$0x1] =	stream.indirect_vreg.gather [hbm4b:s4+s2], $0x80, v4, vm0, $0xb8;
	[tilespmem:$0x18400] =	vst v63  }
0x37: {  	s1 =	simm.s32 $0x4C00;
	v3 =	vperm.xlane v3, v2  }
0x38: {  	[tilespmem:s1], [sflag:$0x1] =	stream.indirect_vreg.gather [hbm4b:s5+s2], $0x80, v4, vm0, $0xb8;
	[tilespmem:$0x18400] =	vst v63  }
0x39: {  	s3 =	simm.s32 $0x5400;
	v3 =	vadd.s32 v1, v3  }
0x3a: {  	[tilespmem:s3], [sflag:$0x1] =	stream.indirect_vreg.gather [hbm4b:s6+s2], $0x80, v4, vm0, $0xb8;
	[tilespmem:$0x18400] =	vst v63  }
0x3b: {  	s25 =	simm.s32 $0x5C00  }
0x3c: {  	[tilespmem:s25], [sflag:$0x1] =	stream.indirect_vreg.gather [hbm4b:s7+s2], $0x80, v4, vm0, $0xb8;
	[tilespmem:$0x18400] =	vst v63  }
0x3d: {  	s1 =	simm.s32 $0x6400  }
0x3e: {  	[tilespmem:s1], [sflag:$0x1] =	stream.indirect_vreg.gather [hbm4b:s4+s2], $0x80, v3, vm0, $0xb8;
	[tilespmem:$0x18400] =	vst v63  }
0x3f: {  	s3 =	simm.s32 $0x6C00  }
0x40: {  	[tilespmem:s3], [sflag:$0x1] =	stream.indirect_vreg.gather [hbm4b:s5+s2], $0x80, v3, vm0, $0xb8;
	[tilespmem:$0x18400] =	vst v63  }
0x41: {  	s25 =	simm.s32 $0x7400  }
0x42: {  	[tilespmem:s25], [sflag:$0x1] =	stream.indirect_vreg.gather [hbm4b:s6+s2], $0x80, v3, vm0, $0xb8;
	[tilespmem:$0x18400] =	vst v63  }
0x43: {  	s1 =	simm.s32 $0x7C00  }
0x44: {  	[tilespmem:s1], [sflag:$0x1] =	stream.indirect_vreg.gather [hbm4b:s7+s2], $0x80, v3, vm0, $0xb8;
	[tilespmem:$0x18400] =	vst v63  }
0x45: {  	v3 =	vld [tilespmem:$0x80];
	_ =	sdelay $0x4  }
0x46: {  	v50 =	vshll.u32 v3, $0x3  }
0x47: {  	v3 =	vand.u32 $0x7, v3;
	v4 =	vand.u32 $0xFFFFFFC0, v50  }
0x48: {  	v3 =	vor.u32 v3, v4  }
0x49: {  	v4 =	vperm.xlane v3, v0;
	_ =	sdelay $0x1  }
0x4a: {  	v4 =	vadd.s32 v1, v4;
	_ =	sdelay $0x3  }
0x4b: {  	s0 =	simm.s32 $0x8400  }
0x4c: {  	[tilespmem:s0], [sflag:$0x2] =	stream.indirect_vreg.gather [hbm4b:s4+s2], $0x80, v4, vm0, $0xb8;
	[tilespmem:$0x18400] =	vst v63  }
0x4d: {  	s1 =	simm.s32 $0x8C00;
	v3 =	vperm.xlane v3, v2  }
0x4e: {  	[tilespmem:s1], [sflag:$0x2] =	stream.indirect_vreg.gather [hbm4b:s5+s2], $0x80, v4, vm0, $0xb8;
	[tilespmem:$0x18400] =	vst v63  }
0x4f: {  	s3 =	simm.s32 $0x9400;
	v3 =	vadd.s32 v1, v3  }
0x50: {  	[tilespmem:s3], [sflag:$0x2] =	stream.indirect_vreg.gather [hbm4b:s6+s2], $0x80, v4, vm0, $0xb8;
	[tilespmem:$0x18400] =	vst v63  }
0x51: {  	s25 =	simm.s32 $0x9C00  }
0x52: {  	[tilespmem:s25], [sflag:$0x2] =	stream.indirect_vreg.gather [hbm4b:s7+s2], $0x80, v4, vm0, $0xb8;
	[tilespmem:$0x18400] =	vst v63  }
0x53: {  	s3 =	simm.s32 $0xA400  }
0x54: {  	[tilespmem:s3], [sflag:$0x2] =	stream.indirect_vreg.gather [hbm4b:s4+s2], $0x80, v3, vm0, $0xb8;
	[tilespmem:$0x18400] =	vst v63  }
0x55: {  	s25 =	simm.s32 $0xAC00  }
0x56: {  	[tilespmem:s25], [sflag:$0x2] =	stream.indirect_vreg.gather [hbm4b:s5+s2], $0x80, v3, vm0, $0xb8;
	[tilespmem:$0x18400] =	vst v63  }
0x57: {  	s3 =	simm.s32 $0xB400  }
0x58: {  	[tilespmem:s3], [sflag:$0x2] =	stream.indirect_vreg.gather [hbm4b:s6+s2], $0x80, v3, vm0, $0xb8;
	[tilespmem:$0x18400] =	vst v63  }
0x59: {  	s25 =	simm.s32 $0xBC00  }
0x5a: {  	[tilespmem:s25], [sflag:$0x2] =	stream.indirect_vreg.gather [hbm4b:s7+s2], $0x80, v3, vm0, $0xb8;
	[tilespmem:$0x18400] =	vst v63  }
0x5b: {  	v3 =	vld [tilespmem:$0x90];
	_ =	sdelay $0x4  }
0x5c: {  	v51 =	vshll.u32 v3, $0x3  }
0x5d: {  	v3 =	vand.u32 $0x7, v3;
	v4 =	vand.u32 $0xFFFFFFC0, v51  }
0x5e: {  	v3 =	vor.u32 v3, v4  }
0x5f: {  	v4 =	vperm.xlane v3, v0;
	_ =	sdelay $0x1  }
0x60: {  	v4 =	vadd.s32 v1, v4;
	_ =	sdelay $0x3  }
0x61: {  	s3 =	simm.s32 $0xC400  }
0x62: {  	[tilespmem:s3], [sflag:$0x2] =	stream.indirect_vreg.gather [hbm4b:s4+s2], $0x80, v4, vm0, $0xb8;
	[tilespmem:$0x18400] =	vst v63  }
0x63: {  	s25 =	simm.s32 $0xCC00;
	v3 =	vperm.xlane v3, v2  }
0x64: {  	[tilespmem:s25], [sflag:$0x2] =	stream.indirect_vreg.gather [hbm4b:s5+s2], $0x80, v4, vm0, $0xb8;
	[tilespmem:$0x18400] =	vst v63  }
0x65: {  	v3 =	vadd.s32 v1, v3;
	s3 =	simm.s32 $0xD400  }
0x66: {  	[tilespmem:s3], [sflag:$0x2] =	stream.indirect_vreg.gather [hbm4b:s6+s2], $0x80, v4, vm0, $0xb8;
	[tilespmem:$0x18400] =	vst v63  }
0x67: {  	s25 =	simm.s32 $0xDC00  }
0x68: {  	[tilespmem:s25], [sflag:$0x2] =	stream.indirect_vreg.gather [hbm4b:s7+s2], $0x80, v4, vm0, $0xb8;
	[tilespmem:$0x18400] =	vst v63  }
0x69: {  	s3 =	simm.s32 $0xE400  }
0x6a: {  	[tilespmem:s3], [sflag:$0x2] =	stream.indirect_vreg.gather [hbm4b:s4+s2], $0x80, v3, vm0, $0xb8;
	[tilespmem:$0x18400] =	vst v63  }
0x6b: {  	s25 =	simm.s32 $0xEC00  }
0x6c: {  	[tilespmem:s25], [sflag:$0x2] =	stream.indirect_vreg.gather [hbm4b:s5+s2], $0x80, v3, vm0, $0xb8;
	[tilespmem:$0x18400] =	vst v63  }
0x6d: {  	s3 =	simm.s32 $0xF400  }
0x6e: {  	[tilespmem:s3], [sflag:$0x2] =	stream.indirect_vreg.gather [hbm4b:s6+s2], $0x80, v3, vm0, $0xb8;
	[tilespmem:$0x18400] =	vst v63  }
0x6f: {  	s25 =	simm.s32 $0xFC00  }
0x70: {  	[tilespmem:s25], [sflag:$0x2] =	stream.indirect_vreg.gather [hbm4b:s7+s2], $0x80, v3, vm0, $0xb8;
	[tilespmem:$0x18400] =	vst v63  }
0x71: {  	_ =	swait.ge [sflag:s18], $0x8000  }
0x72: {  	[sflag:s18] =	ssyncset.done $0x0  }
0x73: {  	s1 =	rddreg [dreg:$0xb];
	[sflag:s18] =	ssyncadd.s32 $0xFFFF8000  }
0x74: {  	[hbm4b:s1+s2] =	stream.linear.scatter [tilespmem:s26], [sflag:$0x4], $0x8000, $0x38;
	[tilespmem:$0x18400] =	vst v63  }
0x75: {  	v3 =	vld [tilespmem:$0x100];
	_ =	sdelay $0x4  }
0x76: {  	v52 =	vshll.u32 v3, $0x3  }
0x77: {  	v3 =	vand.u32 $0x7, v3;
	v4 =	vand.u32 $0xFFFFFFC0, v52  }
0x78: {  	v3 =	vor.u32 v3, v4  }
0x79: {  	v4 =	vperm.xlane v3, v0;
	_ =	sdelay $0x1  }
0x7a: {  	v4 =	vadd.s32 v1, v4;
	_ =	sdelay $0x3  }
0x7b: {  	s1 =	simm.s32 $0x10400  }
0x7c: {  	[tilespmem:s1], [sflag:$0x3] =	stream.indirect_vreg.gather [hbm4b:s4+s2], $0x80, v4, vm0, $0xb8;
	[tilespmem:$0x18400] =	vst v63  }
0x7d: {  	s3 =	simm.s32 $0x10C00;
	v3 =	vperm.xlane v3, v2  }
0x7e: {  	[tilespmem:s3], [sflag:$0x3] =	stream.indirect_vreg.gather [hbm4b:s5+s2], $0x80, v4, vm0, $0xb8;
	[tilespmem:$0x18400] =	vst v63  }
0x7f: {  	v3 =	vadd.s32 v1, v3  }
0x80: {  	[tilespmem:s9], [sflag:$0x3] =	stream.indirect_vreg.gather [hbm4b:s6+s2], $0x80, v4, vm0, $0xb8;
	[tilespmem:$0x18400] =	vst v63  }
0x81: {  	_ = 	snop  }
0x82: {  	[tilespmem:s10], [sflag:$0x3] =	stream.indirect_vreg.gather [hbm4b:s7+s2], $0x80, v4, vm0, $0xb8;
	[tilespmem:$0x18400] =	vst v63  }
0x83: {  	_ = 	snop  }
0x84: {  	[tilespmem:s11], [sflag:$0x3] =	stream.indirect_vreg.gather [hbm4b:s4+s2], $0x80, v3, vm0, $0xb8;
	[tilespmem:$0x18400] =	vst v63  }
0x85: {  	_ = 	snop  }
0x86: {  	[tilespmem:s12], [sflag:$0x3] =	stream.indirect_vreg.gather [hbm4b:s5+s2], $0x80, v3, vm0, $0xb8;
	[tilespmem:$0x18400] =	vst v63  }
0x87: {  	_ = 	snop  }
0x88: {  	[tilespmem:s13], [sflag:$0x3] =	stream.indirect_vreg.gather [hbm4b:s6+s2], $0x80, v3, vm0, $0xb8;
	[tilespmem:$0x18400] =	vst v63  }
0x89: {  	_ = 	snop  }
0x8a: {  	[tilespmem:s14], [sflag:$0x3] =	stream.indirect_vreg.gather [hbm4b:s7+s2], $0x80, v3, vm0, $0xb8;
	[tilespmem:$0x18400] =	vst v63  }
0x8b: {  	v3 =	vld [tilespmem:$0x110];
	_ =	sdelay $0x4  }
0x8c: {  	v53 =	vshll.u32 v3, $0x3  }
0x8d: {  	v3 =	vand.u32 $0x7, v3;
	v4 =	vand.u32 $0xFFFFFFC0, v53  }
0x8e: {  	v3 =	vor.u32 v3, v4  }
0x8f: {  	v4 =	vperm.xlane v3, v0;
	_ =	sdelay $0x1  }
0x90: {  	v4 =	vadd.s32 v1, v4;
	_ =	sdelay $0x4  }
0x91: {  	[tilespmem:s15], [sflag:$0x3] =	stream.indirect_vreg.gather [hbm4b:s4+s2], $0x80, v4, vm0, $0xb8;
	[tilespmem:$0x18400] =	vst v63  }
0x92: {  	v3 =	vperm.xlane v3, v2  }
0x93: {  	[tilespmem:s16], [sflag:$0x3] =	stream.indirect_vreg.gather [hbm4b:s5+s2], $0x80, v4, vm0, $0xb8;
	[tilespmem:$0x18400] =	vst v63  }
0x94: {  	v3 =	vadd.s32 v1, v3  }
0x95: {  	[tilespmem:s17], [sflag:$0x3] =	stream.indirect_vreg.gather [hbm4b:s6+s2], $0x80, v4, vm0, $0xb8;
	[tilespmem:$0x18400] =	vst v63  }
0x96: {  	_ = 	snop  }
0x97: {  	[tilespmem:s19], [sflag:$0x3] =	stream.indirect_vreg.gather [hbm4b:s7+s2], $0x80, v4, vm0, $0xb8;
	[tilespmem:$0x18400] =	vst v63  }
0x98: {  	_ = 	snop  }
0x99: {  	[tilespmem:s22], [sflag:$0x3] =	stream.indirect_vreg.gather [hbm4b:s4+s2], $0x80, v3, vm0, $0xb8;
	[tilespmem:$0x18400] =	vst v63  }
0x9a: {  	_ = 	snop  }
0x9b: {  	[tilespmem:s28], [sflag:$0x3] =	stream.indirect_vreg.gather [hbm4b:s5+s2], $0x80, v3, vm0, $0xb8;
	[tilespmem:$0x18400] =	vst v63  }
0x9c: {  	_ = 	snop  }
0x9d: {  	[tilespmem:s29], [sflag:$0x3] =	stream.indirect_vreg.gather [hbm4b:s6+s2], $0x80, v3, vm0, $0xb8;
	[tilespmem:$0x18400] =	vst v63  }
0x9e: {  	_ = 	snop  }
0x9f: {  	[tilespmem:s30], [sflag:$0x3] =	stream.indirect_vreg.gather [hbm4b:s7+s2], $0x80, v3, vm0, $0xb8;
	[tilespmem:$0x18400] =	vst v63  }
0xa0: {  	_ =	swait.ge [sflag:s20], $0x8000  }
0xa1: {  	[sflag:s20] =	ssyncset.done $0x0  }
0xa2: {  	s25 =	rddreg [dreg:$0x4];
	[sflag:s20] =	ssyncadd.s32 $0xFFFF8000  }
0xa3: {  	[hbm4b:s25+s2] =	stream.linear.scatter [tilespmem:s0], [sflag:$0x5], $0x8000, $0x38;
	[tilespmem:$0x18400] =	vst v63  }
0xa4: {  	_ =	swait.ge [sflag:s21], $0x8000  }
0xa5: {  	[sflag:s21] =	ssyncset.done $0x0  }
0xa6: {  	[sflag:s21] =	ssyncadd.s32 $0xFFFF8000  }
0xa7: {  	v3 =	vld [tilespmem:$0x180];
	_ =	sdelay $0x4  }
0xa8: {  	v54 =	vshll.u32 v3, $0x3  }
0xa9: {  	v3 =	vand.u32 $0x7, v3;
	v4 =	vand.u32 $0xFFFFFFC0, v54  }
0xaa: {  	v3 =	vor.u32 v3, v4  }
0xab: {  	v4 =	vperm.xlane v3, v0;
	_ =	sdelay $0x1  }
0xac: {  	v4 =	vadd.s32 v1, v4;
	_ =	sdelay $0x4  }
0xad: {  	[tilespmem:s26], [sflag:$0x1] =	stream.indirect_vreg.gather [hbm4b:s4+s2], $0x80, v4, vm0, $0xb8;
	[tilespmem:$0x18400] =	vst v63  }
0xae: {  	s25 =	simm.s32 $0xC00;
	v3 =	vperm.xlane v3, v2  }
0xaf: {  	[tilespmem:s25], [sflag:$0x1] =	stream.indirect_vreg.gather [hbm4b:s5+s2], $0x80, v4, vm0, $0xb8;
	[tilespmem:$0x18400] =	vst v63  }
0xb0: {  	v3 =	vadd.s32 v1, v3;
	s25 =	simm.s32 $0x1400  }
0xb1: {  	[tilespmem:s25], [sflag:$0x1] =	stream.indirect_vreg.gather [hbm4b:s6+s2], $0x80, v4, vm0, $0xb8;
	[tilespmem:$0x18400] =	vst v63  }
0xb2: {  	s25 =	simm.s32 $0x1C00  }
0xb3: {  	[tilespmem:s25], [sflag:$0x1] =	stream.indirect_vreg.gather [hbm4b:s7+s2], $0x80, v4, vm0, $0xb8;
	[tilespmem:$0x18400] =	vst v63  }
0xb4: {  	s25 =	simm.s32 $0x2400  }
0xb5: {  	[tilespmem:s25], [sflag:$0x1] =	stream.indirect_vreg.gather [hbm4b:s4+s2], $0x80, v3, vm0, $0xb8;
	[tilespmem:$0x18400] =	vst v63  }
0xb6: {  	s25 =	simm.s32 $0x2C00  }
0xb7: {  	[tilespmem:s25], [sflag:$0x1] =	stream.indirect_vreg.gather [hbm4b:s5+s2], $0x80, v3, vm0, $0xb8;
	[tilespmem:$0x18400] =	vst v63  }
0xb8: {  	s25 =	simm.s32 $0x3400  }
0xb9: {  	[tilespmem:s25], [sflag:$0x1] =	stream.indirect_vreg.gather [hbm4b:s6+s2], $0x80, v3, vm0, $0xb8;
	[tilespmem:$0x18400] =	vst v63  }
0xba: {  	s25 =	simm.s32 $0x3C00  }
0xbb: {  	[tilespmem:s25], [sflag:$0x1] =	stream.indirect_vreg.gather [hbm4b:s7+s2], $0x80, v3, vm0, $0xb8;
	[tilespmem:$0x18400] =	vst v63  }
0xbc: {  	v3 =	vld [tilespmem:$0x190];
	_ =	sdelay $0x4  }
0xbd: {  	v55 =	vshll.u32 v3, $0x3  }
0xbe: {  	v3 =	vand.u32 $0x7, v3;
	v4 =	vand.u32 $0xFFFFFFC0, v55  }
0xbf: {  	v3 =	vor.u32 v3, v4  }
0xc0: {  	v4 =	vperm.xlane v3, v0;
	_ =	sdelay $0x1  }
0xc1: {  	v4 =	vadd.s32 v1, v4;
	_ =	sdelay $0x3  }
0xc2: {  	s25 =	simm.s32 $0x4400  }
0xc3: {  	[tilespmem:s25], [sflag:$0x1] =	stream.indirect_vreg.gather [hbm4b:s4+s2], $0x80, v4, vm0, $0xb8;
	[tilespmem:$0x18400] =	vst v63  }
0xc4: {  	v3 =	vperm.xlane v3, v2;
	s25 =	simm.s32 $0x4C00  }
0xc5: {  	[tilespmem:s25], [sflag:$0x1] =	stream.indirect_vreg.gather [hbm4b:s5+s2], $0x80, v4, vm0, $0xb8;
	[tilespmem:$0x18400] =	vst v63  }
0xc6: {  	v3 =	vadd.s32 v1, v3;
	s25 =	simm.s32 $0x5400  }
0xc7: {  	[tilespmem:s25], [sflag:$0x1] =	stream.indirect_vreg.gather [hbm4b:s6+s2], $0x80, v4, vm0, $0xb8;
	[tilespmem:$0x18400] =	vst v63  }
0xc8: {  	s25 =	simm.s32 $0x5C00  }
0xc9: {  	[tilespmem:s25], [sflag:$0x1] =	stream.indirect_vreg.gather [hbm4b:s7+s2], $0x80, v4, vm0, $0xb8;
	[tilespmem:$0x18400] =	vst v63  }
0xca: {  	s25 =	simm.s32 $0x6400  }
0xcb: {  	[tilespmem:s25], [sflag:$0x1] =	stream.indirect_vreg.gather [hbm4b:s4+s2], $0x80, v3, vm0, $0xb8;
	[tilespmem:$0x18400] =	vst v63  }
0xcc: {  	s25 =	simm.s32 $0x6C00  }
0xcd: {  	[tilespmem:s25], [sflag:$0x1] =	stream.indirect_vreg.gather [hbm4b:s5+s2], $0x80, v3, vm0, $0xb8;
	[tilespmem:$0x18400] =	vst v63  }
0xce: {  	s25 =	simm.s32 $0x7400  }
0xcf: {  	[tilespmem:s25], [sflag:$0x1] =	stream.indirect_vreg.gather [hbm4b:s6+s2], $0x80, v3, vm0, $0xb8;
	[tilespmem:$0x18400] =	vst v63  }
0xd0: {  	s25 =	simm.s32 $0x7C00  }
0xd1: {  	[tilespmem:s25], [sflag:$0x1] =	stream.indirect_vreg.gather [hbm4b:s7+s2], $0x80, v3, vm0, $0xb8;
	[tilespmem:$0x18400] =	vst v63  }
0xd2: {  	_ =	swait.ge [sflag:s31], $0x8000  }
0xd3: {  	[sflag:s31] =	ssyncset.done $0x0  }
0xd4: {  	s25 =	rddreg [dreg:$0x5];
	[sflag:s31] =	ssyncadd.s32 $0xFFFF8000  }
0xd5: {  	[hbm4b:s25+s2] =	stream.linear.scatter [tilespmem:s1], [sflag:$0x6], $0x8000, $0x38;
	[tilespmem:$0x18400] =	vst v63  }
0xd6: {  	_ =	swait.ge [sflag:s23], $0x8000  }
0xd7: {  	[sflag:s23] =	ssyncset.done $0x0  }
0xd8: {  	[sflag:s23] =	ssyncadd.s32 $0xFFFF8000  }
0xd9: {  	v3 =	vld [tilespmem:$0x200];
	_ =	sdelay $0x4  }
0xda: {  	v56 =	vshll.u32 v3, $0x3  }
0xdb: {  	v3 =	vand.u32 $0x7, v3;
	v4 =	vand.u32 $0xFFFFFFC0, v56  }
0xdc: {  	v3 =	vor.u32 v3, v4  }
0xdd: {  	v4 =	vperm.xlane v3, v0;
	_ =	sdelay $0x1  }
0xde: {  	v4 =	vadd.s32 v1, v4;
	_ =	sdelay $0x4  }
0xdf: {  	[tilespmem:s0], [sflag:$0x2] =	stream.indirect_vreg.gather [hbm4b:s4+s2], $0x80, v4, vm0, $0xb8;
	[tilespmem:$0x18400] =	vst v63  }
0xe0: {  	s25 =	simm.s32 $0x8C00;
	v3 =	vperm.xlane v3, v2  }
0xe1: {  	[tilespmem:s25], [sflag:$0x2] =	stream.indirect_vreg.gather [hbm4b:s5+s2], $0x80, v4, vm0, $0xb8;
	[tilespmem:$0x18400] =	vst v63  }
0xe2: {  	v3 =	vadd.s32 v1, v3;
	s25 =	simm.s32 $0x9400  }
0xe3: {  	[tilespmem:s25], [sflag:$0x2] =	stream.indirect_vreg.gather [hbm4b:s6+s2], $0x80, v4, vm0, $0xb8;
	[tilespmem:$0x18400] =	vst v63  }
0xe4: {  	s25 =	simm.s32 $0x9C00  }
0xe5: {  	[tilespmem:s25], [sflag:$0x2] =	stream.indirect_vreg.gather [hbm4b:s7+s2], $0x80, v4, vm0, $0xb8;
	[tilespmem:$0x18400] =	vst v63  }
0xe6: {  	s25 =	simm.s32 $0xA400  }
0xe7: {  	[tilespmem:s25], [sflag:$0x2] =	stream.indirect_vreg.gather [hbm4b:s4+s2], $0x80, v3, vm0, $0xb8;
	[tilespmem:$0x18400] =	vst v63  }
0xe8: {  	s25 =	simm.s32 $0xAC00  }
0xe9: {  	[tilespmem:s25], [sflag:$0x2] =	stream.indirect_vreg.gather [hbm4b:s5+s2], $0x80, v3, vm0, $0xb8;
	[tilespmem:$0x18400] =	vst v63  }
0xea: {  	s25 =	simm.s32 $0xB400  }
0xeb: {  	[tilespmem:s25], [sflag:$0x2] =	stream.indirect_vreg.gather [hbm4b:s6+s2], $0x80, v3, vm0, $0xb8;
	[tilespmem:$0x18400] =	vst v63  }
0xec: {  	s25 =	simm.s32 $0xBC00  }
0xed: {  	[tilespmem:s25], [sflag:$0x2] =	stream.indirect_vreg.gather [hbm4b:s7+s2], $0x80, v3, vm0, $0xb8;
	[tilespmem:$0x18400] =	vst v63  }
0xee: {  	v3 =	vld [tilespmem:$0x210];
	_ =	sdelay $0x4  }
0xef: {  	v57 =	vshll.u32 v3, $0x3  }
0xf0: {  	v3 =	vand.u32 $0x7, v3;
	v4 =	vand.u32 $0xFFFFFFC0, v57  }
0xf1: {  	v3 =	vor.u32 v3, v4  }
0xf2: {  	v4 =	vperm.xlane v3, v0;
	_ =	sdelay $0x1  }
0xf3: {  	v4 =	vadd.s32 v1, v4;
	_ =	sdelay $0x3  }
0xf4: {  	s25 =	simm.s32 $0xC400  }
0xf5: {  	[tilespmem:s25], [sflag:$0x2] =	stream.indirect_vreg.gather [hbm4b:s4+s2], $0x80, v4, vm0, $0xb8;
	[tilespmem:$0x18400] =	vst v63  }
0xf6: {  	v3 =	vperm.xlane v3, v2;
	s25 =	simm.s32 $0xCC00  }
0xf7: {  	[tilespmem:s25], [sflag:$0x2] =	stream.indirect_vreg.gather [hbm4b:s5+s2], $0x80, v4, vm0, $0xb8;
	[tilespmem:$0x18400] =	vst v63  }
0xf8: {  	v3 =	vadd.s32 v1, v3;
	s25 =	simm.s32 $0xD400  }
0xf9: {  	[tilespmem:s25], [sflag:$0x2] =	stream.indirect_vreg.gather [hbm4b:s6+s2], $0x80, v4, vm0, $0xb8;
	[tilespmem:$0x18400] =	vst v63  }
0xfa: {  	s25 =	simm.s32 $0xDC00  }
0xfb: {  	[tilespmem:s25], [sflag:$0x2] =	stream.indirect_vreg.gather [hbm4b:s7+s2], $0x80, v4, vm0, $0xb8;
	[tilespmem:$0x18400] =	vst v63  }
0xfc: {  	s25 =	simm.s32 $0xE400  }
0xfd: {  	[tilespmem:s25], [sflag:$0x2] =	stream.indirect_vreg.gather [hbm4b:s4+s2], $0x80, v3, vm0, $0xb8;
	[tilespmem:$0x18400] =	vst v63  }
0xfe: {  	s25 =	simm.s32 $0xEC00  }
0xff: {  	[tilespmem:s25], [sflag:$0x2] =	stream.indirect_vreg.gather [hbm4b:s5+s2], $0x80, v3, vm0, $0xb8;
	[tilespmem:$0x18400] =	vst v63  }
0x100: {  	s25 =	simm.s32 $0xF400  }
0x101: {  	[tilespmem:s25], [sflag:$0x2] =	stream.indirect_vreg.gather [hbm4b:s6+s2], $0x80, v3, vm0, $0xb8;
	[tilespmem:$0x18400] =	vst v63  }
0x102: {  	s25 =	simm.s32 $0xFC00  }
0x103: {  	[tilespmem:s25], [sflag:$0x2] =	stream.indirect_vreg.gather [hbm4b:s7+s2], $0x80, v3, vm0, $0xb8;
	[tilespmem:$0x18400] =	vst v63  }
0x104: {  	_ =	swait.ge [sflag:s18], $0x8000  }
0x105: {  	[sflag:s18] =	ssyncset.done $0x0  }
0x106: {  	s25 =	rddreg [dreg:$0x6];
	[sflag:s18] =	ssyncadd.s32 $0xFFFF8000  }
0x107: {  	[hbm4b:s25+s2] =	stream.linear.scatter [tilespmem:s26], [sflag:$0x4], $0x8000, $0x38;
	[tilespmem:$0x18400] =	vst v63  }
0x108: {  	_ =	swait.ge [sflag:s24], $0x8000  }
0x109: {  	[sflag:s24] =	ssyncset.done $0x0  }
0x10a: {  	[sflag:s24] =	ssyncadd.s32 $0xFFFF8000  }
0x10b: {  	v3 =	vld [tilespmem:$0x280];
	_ =	sdelay $0x4  }
0x10c: {  	v58 =	vshll.u32 v3, $0x3  }
0x10d: {  	v3 =	vand.u32 $0x7, v3;
	v4 =	vand.u32 $0xFFFFFFC0, v58  }
0x10e: {  	v3 =	vor.u32 v3, v4  }
0x10f: {  	v4 =	vperm.xlane v3, v0;
	_ =	sdelay $0x1  }
0x110: {  	v4 =	vadd.s32 v1, v4;
	_ =	sdelay $0x4  }
0x111: {  	[tilespmem:s1], [sflag:$0x3] =	stream.indirect_vreg.gather [hbm4b:s4+s2], $0x80, v4, vm0, $0xb8;
	[tilespmem:$0x18400] =	vst v63  }
0x112: {  	v3 =	vperm.xlane v3, v2  }
0x113: {  	[tilespmem:s3], [sflag:$0x3] =	stream.indirect_vreg.gather [hbm4b:s5+s2], $0x80, v4, vm0, $0xb8;
	[tilespmem:$0x18400] =	vst v63  }
0x114: {  	v3 =	vadd.s32 v1, v3  }
0x115: {  	[tilespmem:s9], [sflag:$0x3] =	stream.indirect_vreg.gather [hbm4b:s6+s2], $0x80, v4, vm0, $0xb8;
	[tilespmem:$0x18400] =	vst v63  }
0x116: {  	_ = 	snop  }
0x117: {  	[tilespmem:s10], [sflag:$0x3] =	stream.indirect_vreg.gather [hbm4b:s7+s2], $0x80, v4, vm0, $0xb8;
	[tilespmem:$0x18400] =	vst v63  }
0x118: {  	_ = 	snop  }
0x119: {  	[tilespmem:s11], [sflag:$0x3] =	stream.indirect_vreg.gather [hbm4b:s4+s2], $0x80, v3, vm0, $0xb8;
	[tilespmem:$0x18400] =	vst v63  }
0x11a: {  	_ = 	snop  }
0x11b: {  	[tilespmem:s12], [sflag:$0x3] =	stream.indirect_vreg.gather [hbm4b:s5+s2], $0x80, v3, vm0, $0xb8;
	[tilespmem:$0x18400] =	vst v63  }
0x11c: {  	_ = 	snop  }
0x11d: {  	[tilespmem:s13], [sflag:$0x3] =	stream.indirect_vreg.gather [hbm4b:s6+s2], $0x80, v3, vm0, $0xb8;
	[tilespmem:$0x18400] =	vst v63  }
0x11e: {  	_ = 	snop  }
0x11f: {  	[tilespmem:s14], [sflag:$0x3] =	stream.indirect_vreg.gather [hbm4b:s7+s2], $0x80, v3, vm0, $0xb8;
	[tilespmem:$0x18400] =	vst v63  }
0x120: {  	v3 =	vld [tilespmem:$0x290];
	_ =	sdelay $0x4  }
0x121: {  	v59 =	vshll.u32 v3, $0x3  }
0x122: {  	v3 =	vand.u32 $0x7, v3;
	v4 =	vand.u32 $0xFFFFFFC0, v59  }
0x123: {  	v3 =	vor.u32 v3, v4  }
0x124: {  	v4 =	vperm.xlane v3, v0;
	_ =	sdelay $0x1  }
0x125: {  	v4 =	vadd.s32 v1, v4;
	_ =	sdelay $0x4  }
0x126: {  	[tilespmem:s15], [sflag:$0x3] =	stream.indirect_vreg.gather [hbm4b:s4+s2], $0x80, v4, vm0, $0xb8;
	[tilespmem:$0x18400] =	vst v63  }
0x127: {  	v3 =	vperm.xlane v3, v2  }
0x128: {  	[tilespmem:s16], [sflag:$0x3] =	stream.indirect_vreg.gather [hbm4b:s5+s2], $0x80, v4, vm0, $0xb8;
	[tilespmem:$0x18400] =	vst v63  }
0x129: {  	v3 =	vadd.s32 v1, v3  }
0x12a: {  	[tilespmem:s17], [sflag:$0x3] =	stream.indirect_vreg.gather [hbm4b:s6+s2], $0x80, v4, vm0, $0xb8;
	[tilespmem:$0x18400] =	vst v63  }
0x12b: {  	_ = 	snop  }
0x12c: {  	[tilespmem:s19], [sflag:$0x3] =	stream.indirect_vreg.gather [hbm4b:s7+s2], $0x80, v4, vm0, $0xb8;
	[tilespmem:$0x18400] =	vst v63  }
0x12d: {  	_ = 	snop  }
0x12e: {  	[tilespmem:s22], [sflag:$0x3] =	stream.indirect_vreg.gather [hbm4b:s4+s2], $0x80, v3, vm0, $0xb8;
	[tilespmem:$0x18400] =	vst v63  }
0x12f: {  	_ = 	snop  }
0x130: {  	[tilespmem:s28], [sflag:$0x3] =	stream.indirect_vreg.gather [hbm4b:s5+s2], $0x80, v3, vm0, $0xb8;
	[tilespmem:$0x18400] =	vst v63  }
0x131: {  	_ = 	snop  }
0x132: {  	[tilespmem:s29], [sflag:$0x3] =	stream.indirect_vreg.gather [hbm4b:s6+s2], $0x80, v3, vm0, $0xb8;
	[tilespmem:$0x18400] =	vst v63  }
0x133: {  	_ = 	snop  }
0x134: {  	[tilespmem:s30], [sflag:$0x3] =	stream.indirect_vreg.gather [hbm4b:s7+s2], $0x80, v3, vm0, $0xb8;
	[tilespmem:$0x18400] =	vst v63  }
0x135: {  	_ =	swait.ge [sflag:s20], $0x8000  }
0x136: {  	[sflag:s20] =	ssyncset.done $0x0  }
0x137: {  	s3 =	rddreg [dreg:$0x7];
	[sflag:s20] =	ssyncadd.s32 $0xFFFF8000  }
0x138: {  	[hbm4b:s3+s2] =	stream.linear.scatter [tilespmem:s0], [sflag:$0x5], $0x8000, $0x38;
	[tilespmem:$0x18400] =	vst v63  }
0x139: {  	_ =	swait.ge [sflag:s21], $0x8000  }
0x13a: {  	[sflag:s21] =	ssyncset.done $0x0  }
0x13b: {  	[sflag:s21] =	ssyncadd.s32 $0xFFFF8000  }
0x13c: {  	v3 =	vld [tilespmem:$0x300];
	_ =	sdelay $0x4  }
0x13d: {  	v60 =	vshll.u32 v3, $0x3  }
0x13e: {  	v3 =	vand.u32 $0x7, v3;
	v4 =	vand.u32 $0xFFFFFFC0, v60  }
0x13f: {  	v3 =	vor.u32 v3, v4  }
0x140: {  	v4 =	vperm.xlane v3, v0;
	_ =	sdelay $0x1  }
0x141: {  	v4 =	vadd.s32 v1, v4;
	_ =	sdelay $0x4  }
0x142: {  	[tilespmem:s26], [sflag:$0x1] =	stream.indirect_vreg.gather [hbm4b:s4+s2], $0x80, v4, vm0, $0xb8;
	[tilespmem:$0x18400] =	vst v63  }
0x143: {  	s25 =	simm.s32 $0xC00;
	v3 =	vperm.xlane v3, v2  }
0x144: {  	[tilespmem:s25], [sflag:$0x1] =	stream.indirect_vreg.gather [hbm4b:s5+s2], $0x80, v4, vm0, $0xb8;
	[tilespmem:$0x18400] =	vst v63  }
0x145: {  	v3 =	vadd.s32 v1, v3;
	s25 =	simm.s32 $0x1400  }
0x146: {  	[tilespmem:s25], [sflag:$0x1] =	stream.indirect_vreg.gather [hbm4b:s6+s2], $0x80, v4, vm0, $0xb8;
	[tilespmem:$0x18400] =	vst v63  }
0x147: {  	s25 =	simm.s32 $0x1C00  }
0x148: {  	[tilespmem:s25], [sflag:$0x1] =	stream.indirect_vreg.gather [hbm4b:s7+s2], $0x80, v4, vm0, $0xb8;
	[tilespmem:$0x18400] =	vst v63  }
0x149: {  	s25 =	simm.s32 $0x2400  }
0x14a: {  	[tilespmem:s25], [sflag:$0x1] =	stream.indirect_vreg.gather [hbm4b:s4+s2], $0x80, v3, vm0, $0xb8;
	[tilespmem:$0x18400] =	vst v63  }
0x14b: {  	s25 =	simm.s32 $0x2C00  }
0x14c: {  	[tilespmem:s25], [sflag:$0x1] =	stream.indirect_vreg.gather [hbm4b:s5+s2], $0x80, v3, vm0, $0xb8;
	[tilespmem:$0x18400] =	vst v63  }
0x14d: {  	s25 =	simm.s32 $0x3400  }
0x14e: {  	[tilespmem:s25], [sflag:$0x1] =	stream.indirect_vreg.gather [hbm4b:s6+s2], $0x80, v3, vm0, $0xb8;
	[tilespmem:$0x18400] =	vst v63  }
0x14f: {  	s25 =	simm.s32 $0x3C00  }
0x150: {  	[tilespmem:s25], [sflag:$0x1] =	stream.indirect_vreg.gather [hbm4b:s7+s2], $0x80, v3, vm0, $0xb8;
	[tilespmem:$0x18400] =	vst v63  }
0x151: {  	v3 =	vld [tilespmem:$0x310];
	_ =	sdelay $0x4  }
0x152: {  	v61 =	vshll.u32 v3, $0x3  }
0x153: {  	v3 =	vand.u32 $0x7, v3;
	v4 =	vand.u32 $0xFFFFFFC0, v61  }
0x154: {  	v3 =	vor.u32 v3, v4  }
0x155: {  	v4 =	vperm.xlane v3, v0;
	_ =	sdelay $0x1  }
0x156: {  	v4 =	vadd.s32 v1, v4;
	_ =	sdelay $0x3  }
0x157: {  	s25 =	simm.s32 $0x4400  }
0x158: {  	[tilespmem:s25], [sflag:$0x1] =	stream.indirect_vreg.gather [hbm4b:s4+s2], $0x80, v4, vm0, $0xb8;
	[tilespmem:$0x18400] =	vst v63  }
0x159: {  	v3 =	vperm.xlane v3, v2;
	s25 =	simm.s32 $0x4C00  }
0x15a: {  	[tilespmem:s25], [sflag:$0x1] =	stream.indirect_vreg.gather [hbm4b:s5+s2], $0x80, v4, vm0, $0xb8;
	[tilespmem:$0x18400] =	vst v63  }
0x15b: {  	v3 =	vadd.s32 v1, v3;
	s25 =	simm.s32 $0x5400  }
0x15c: {  	[tilespmem:s25], [sflag:$0x1] =	stream.indirect_vreg.gather [hbm4b:s6+s2], $0x80, v4, vm0, $0xb8;
	[tilespmem:$0x18400] =	vst v63  }
0x15d: {  	s25 =	simm.s32 $0x5C00  }
0x15e: {  	[tilespmem:s25], [sflag:$0x1] =	stream.indirect_vreg.gather [hbm4b:s7+s2], $0x80, v4, vm0, $0xb8;
	[tilespmem:$0x18400] =	vst v63  }
0x15f: {  	s25 =	simm.s32 $0x6400  }
0x160: {  	[tilespmem:s25], [sflag:$0x1] =	stream.indirect_vreg.gather [hbm4b:s4+s2], $0x80, v3, vm0, $0xb8;
	[tilespmem:$0x18400] =	vst v63  }
0x161: {  	s25 =	simm.s32 $0x6C00  }
0x162: {  	[tilespmem:s25], [sflag:$0x1] =	stream.indirect_vreg.gather [hbm4b:s5+s2], $0x80, v3, vm0, $0xb8;
	[tilespmem:$0x18400] =	vst v63  }
0x163: {  	s25 =	simm.s32 $0x7400  }
0x164: {  	[tilespmem:s25], [sflag:$0x1] =	stream.indirect_vreg.gather [hbm4b:s6+s2], $0x80, v3, vm0, $0xb8;
	[tilespmem:$0x18400] =	vst v63  }
0x165: {  	s25 =	simm.s32 $0x7C00  }
0x166: {  	[tilespmem:s25], [sflag:$0x1] =	stream.indirect_vreg.gather [hbm4b:s7+s2], $0x80, v3, vm0, $0xb8;
	[tilespmem:$0x18400] =	vst v63  }
0x167: {  	_ =	swait.ge [sflag:s31], $0x8000  }
0x168: {  	[sflag:s31] =	ssyncset.done $0x0  }
0x169: {  	s3 =	rddreg [dreg:$0x8];
	[sflag:s31] =	ssyncadd.s32 $0xFFFF8000  }
0x16a: {  	[hbm4b:s3+s2] =	stream.linear.scatter [tilespmem:s1], [sflag:$0x6], $0x8000, $0x38;
	[tilespmem:$0x18400] =	vst v63  }
0x16b: {  	_ =	swait.ge [sflag:s23], $0x8000  }
0x16c: {  	[sflag:s23] =	ssyncset.done $0x0  }
0x16d: {  	[sflag:s23] =	ssyncadd.s32 $0xFFFF8000  }
0x16e: {  	v3 =	vld [tilespmem:$0x380];
	_ =	sdelay $0x4  }
0x16f: {  	v62 =	vshll.u32 v3, $0x3  }
0x170: {  	v3 =	vand.u32 $0x7, v3;
	v4 =	vand.u32 $0xFFFFFFC0, v62  }
0x171: {  	v3 =	vor.u32 v3, v4  }
0x172: {  	v4 =	vperm.xlane v3, v0;
	_ =	sdelay $0x1  }
0x173: {  	v4 =	vadd.s32 v1, v4;
	_ =	sdelay $0x4  }
0x174: {  	[tilespmem:s0], [sflag:$0x2] =	stream.indirect_vreg.gather [hbm4b:s4+s2], $0x80, v4, vm0, $0xb8;
	[tilespmem:$0x18400] =	vst v63  }
0x175: {  	s25 =	simm.s32 $0x8C00;
	v3 =	vperm.xlane v3, v2  }
0x176: {  	[tilespmem:s25], [sflag:$0x2] =	stream.indirect_vreg.gather [hbm4b:s5+s2], $0x80, v4, vm0, $0xb8;
	[tilespmem:$0x18400] =	vst v63  }
0x177: {  	s3 =	simm.s32 $0x9400;
	v3 =	vadd.s32 v1, v3  }
0x178: {  	[tilespmem:s3], [sflag:$0x2] =	stream.indirect_vreg.gather [hbm4b:s6+s2], $0x80, v4, vm0, $0xb8;
	[tilespmem:$0x18400] =	vst v63  }
0x179: {  	s25 =	simm.s32 $0x9C00  }
0x17a: {  	[tilespmem:s25], [sflag:$0x2] =	stream.indirect_vreg.gather [hbm4b:s7+s2], $0x80, v4, vm0, $0xb8;
	[tilespmem:$0x18400] =	vst v63  }
0x17b: {  	s3 =	simm.s32 $0xA400  }
0x17c: {  	[tilespmem:s3], [sflag:$0x2] =	stream.indirect_vreg.gather [hbm4b:s4+s2], $0x80, v3, vm0, $0xb8;
	[tilespmem:$0x18400] =	vst v63  }
0x17d: {  	s25 =	simm.s32 $0xAC00  }
0x17e: {  	[tilespmem:s25], [sflag:$0x2] =	stream.indirect_vreg.gather [hbm4b:s5+s2], $0x80, v3, vm0, $0xb8;
	[tilespmem:$0x18400] =	vst v63  }
0x17f: {  	s3 =	simm.s32 $0xB400  }
0x180: {  	[tilespmem:s3], [sflag:$0x2] =	stream.indirect_vreg.gather [hbm4b:s6+s2], $0x80, v3, vm0, $0xb8;
	[tilespmem:$0x18400] =	vst v63  }
0x181: {  	s25 =	simm.s32 $0xBC00  }
0x182: {  	[tilespmem:s25], [sflag:$0x2] =	stream.indirect_vreg.gather [hbm4b:s7+s2], $0x80, v3, vm0, $0xb8;
	[tilespmem:$0x18400] =	vst v63  }
0x183: {  	v3 =	vld [tilespmem:$0x390];
	_ =	sdelay $0x4  }
0x184: {  	v63 =	vshll.u32 v3, $0x3  }
0x185: {  	v3 =	vand.u32 $0x7, v3;
	v4 =	vand.u32 $0xFFFFFFC0, v63  }
0x186: {  	v3 =	vor.u32 v3, v4  }
0x187: {  	v4 =	vperm.xlane v3, v0;
	_ =	sdelay $0x1  }
0x188: {  	v4 =	vadd.s32 v1, v4;
	_ =	sdelay $0x3  }
0x189: {  	s3 =	simm.s32 $0xC400  }
0x18a: {  	[tilespmem:s3], [sflag:$0x2] =	stream.indirect_vreg.gather [hbm4b:s4+s2], $0x80, v4, vm0, $0xb8;
	[tilespmem:$0x18400] =	vst v63  }
0x18b: {  	s25 =	simm.s32 $0xCC00;
	v3 =	vperm.xlane v3, v2  }
0x18c: {  	[tilespmem:s25], [sflag:$0x2] =	stream.indirect_vreg.gather [hbm4b:s5+s2], $0x80, v4, vm0, $0xb8;
	[tilespmem:$0x18400] =	vst v63  }
0x18d: {  	v3 =	vadd.s32 v1, v3;
	s3 =	simm.s32 $0xD400  }
0x18e: {  	[tilespmem:s3], [sflag:$0x2] =	stream.indirect_vreg.gather [hbm4b:s6+s2], $0x80, v4, vm0, $0xb8;
	[tilespmem:$0x18400] =	vst v63  }
0x18f: {  	s25 =	simm.s32 $0xDC00  }
0x190: {  	[tilespmem:s25], [sflag:$0x2] =	stream.indirect_vreg.gather [hbm4b:s7+s2], $0x80, v4, vm0, $0xb8;
	[tilespmem:$0x18400] =	vst v63  }
0x191: {  	s3 =	simm.s32 $0xE400  }
0x192: {  	[tilespmem:s3], [sflag:$0x2] =	stream.indirect_vreg.gather [hbm4b:s4+s2], $0x80, v3, vm0, $0xb8;
	[tilespmem:$0x18400] =	vst v63  }
0x193: {  	s25 =	simm.s32 $0xEC00  }
0x194: {  	[tilespmem:s25], [sflag:$0x2] =	stream.indirect_vreg.gather [hbm4b:s5+s2], $0x80, v3, vm0, $0xb8;
	[tilespmem:$0x18400] =	vst v63  }
0x195: {  	s3 =	simm.s32 $0xF400  }
0x196: {  	[tilespmem:s3], [sflag:$0x2] =	stream.indirect_vreg.gather [hbm4b:s6+s2], $0x80, v3, vm0, $0xb8;
	[tilespmem:$0x18400] =	vst v63  }
0x197: {  	s25 =	simm.s32 $0xFC00  }
0x198: {  	[tilespmem:s25], [sflag:$0x2] =	stream.indirect_vreg.gather [hbm4b:s7+s2], $0x80, v3, vm0, $0xb8;
	[tilespmem:$0x18400] =	vst v63  }
0x199: {  	_ =	swait.ge [sflag:s18], $0x8000  }
0x19a: {  	[sflag:s18] =	ssyncset.done $0x0  }
0x19b: {  	s1 =	rddreg [dreg:$0x9];
	[sflag:s18] =	ssyncadd.s32 $0xFFFF8000  }
0x19c: {  	[hbm4b:s1+s2] =	stream.linear.scatter [tilespmem:s26], [sflag:$0x4], $0x8000, $0x38;
	[tilespmem:$0x18400] =	vst v63  }
0x19d: {  	_ =	swait.ge [sflag:s20], $0x8000  }
0x19e: {  	[sflag:s20] =	ssyncset.done $0x0  }
0x19f: {  	s3 =	rddreg [dreg:$0xa];
	[sflag:s20] =	ssyncadd.s32 $0xFFFF8000  }
0x1a0: {  	[hbm4b:s3+s2] =	stream.linear.scatter [tilespmem:s0], [sflag:$0x5], $0x8000, $0x38;
	[tilespmem:$0x18400] =	vst v63  }
0x1a1: {  	_ =	swait.ge [sflag:s24], $0x8000  }
0x1a2: {  	[sflag:s24] =	ssyncset.done $0x0  }
0x1a3: {  	[sflag:s24] =	ssyncadd.s32 $0xFFFF8000  }
0x1a4: {  	p0 =	sne.s32 s8, $0x1;
	_ =	swait.ge [sflag:s21], $0x8000  }
.Ltmp0:
0x1a5: {  	[sflag:s21] =	ssyncset.done $0x0;
	(pc) =	sbr.rel @p0 .LBB2_1-.Ltmp0, $4  }
0x1a6: {  	[sflag:s21] =	ssyncadd.s32 $0xFFFF8000  }
0x1a7: {  	_ =	swait.ge [sflag:s23], $0x8000  }
0x1a8: {  	[sflag:s23] =	ssyncset.done $0x0  }
0x1a9: {  	s8 =	sadd.s32 $0xFFFFFFFF, s8;
	[sflag:s23] =	ssyncadd.s32 $0xFFFF8000  }
0x1aa: {  	_ =	sfence.sel $0x180000  }
0x1ab: {  	[bflag:$0x0] =	sbarrier.arrive $0xFFFF  }
0x1ac: {  	_ =	strace $0x9000004A  }
0x1ad: {  	s0 =	stileid.u32;
	[bflag:$0x2] =	sbarrier.arrive $0xFFFF  }
0x1ae: {  	p0 =	sne.s32 s0, $0x0;
	s0 =	rddreg [dreg:$0x2]  }
0x1af: {  	s0 =	sadd.s32 @!p0 $0x100000, s0  }
0x1b0: {  	[sflag:s0] =	ssyncadd.tile.s32 @!p0 $0x1;
	_ =	shalt  }
.Lfunc_end2:
_tile_overlayer_lowered:
.L_overlay_start_2:
0x1b1: {  	(tag) =	ssettag $0x2  }
0x1b2: {  	s0 =	rddreg [dreg:$0x0];
	s2 =	stileid.u32  }
0x1b3: {  	s1 =	rddreg [dreg:$0x1];
	p0 =	sne.s32 s2, $0x0  }
0x1b4: {  	s3 =	rddreg [dreg:$0x2];
	[bflag:$0x3] =	sbarrier.arrive $0xFFFF;
	s2 =	simm.s32 @!p0 $0x1C07  }
0x1b5: {  	[timem:s3], [sflag:s2] =	dma.local @!p0 [hbm:s0], s1  }
0x1b6: {  	s0 =	simm.s32 @!p0 $0x7  }
0x1b7: {  	_ =	swait.ge @!p0 [sflag:s0], s1  }
0x1b8: {  	s1 =	ssub.s32 @!p0 $0x0, s1;
	[sflag:s0] =	ssyncset.done @!p0 $0x0  }
0x1b9: {  	[sflag:s0] =	ssyncadd.s32 @!p0 s1  }
0x1ba: {  	[bflag:$0x3] =	sbarrier.arrive $0xFFFF  }
0x1bb: {  	_ =	shalt  }

</sc_bundles>
